<compile_context>
chip_gen: v7x
topology: tpu7x:2x2x1
jax: 0.10.2.dev20260603
libtpu: 0.0.44.dev20260713+nightly
codegen_flags: <defaults>
</compile_context>

<pallas_src>
import functools

import jax
import jax.numpy as jnp
from jax import lax
from jax.experimental import pallas as pl
from jax.experimental.pallas import tpu as pltpu
from jax.experimental.pallas import tpu_sc as plsc

NUM_EMB = 100000
D = 128
B_TOTAL = 4096 * 50
NC = 2
NS = 16
NW = NC * NS
B_PER_W = B_TOTAL // NW
C = 100
NCH = B_PER_W // C
NBUF = 8
NG = NCH // NBUF


@functools.partial(
    pl.kernel,
    mesh=plsc.VectorSubcoreMesh(core_axis_name="c", subcore_axis_name="s"),
    out_type=jax.ShapeDtypeStruct((NW * NCH, C, D), jnp.float32),
    scratch_types=[
        pltpu.VMEM((NCH, C), jnp.int32),
        pltpu.VMEM((NBUF, C, D), jnp.float32),
        [pltpu.SemaphoreType.DMA] * NBUF,
        [pltpu.SemaphoreType.DMA] * NBUF,
    ],
)
def _gather_kernel(idx_hbm, table_hbm, out_hbm, idx_v, rows_v, gsem, wsem):
    wid = lax.axis_index("s") * NC + lax.axis_index("c")
    pltpu.sync_copy(idx_hbm.at[wid], idx_v)

    for b in range(NBUF):
        pltpu.async_copy(table_hbm.at[idx_v.at[b]], rows_v.at[b], gsem[b])

    def group(g, carry):
        for b in range(NBUF):
            j = g * NBUF + b
            pltpu.make_async_copy(
                table_hbm.at[idx_v.at[j]], rows_v.at[b], gsem[b]
            ).wait()
            pltpu.async_copy(rows_v.at[b], out_hbm.at[wid * NCH + j], wsem[b])

        @pl.when(g + 1 < NG)
        def _():
            for b in range(NBUF):
                j = g * NBUF + b
                jn = j + NBUF
                pltpu.make_async_copy(
                    rows_v.at[b], out_hbm.at[wid * NCH + j], wsem[b]
                ).wait()
                pltpu.async_copy(
                    table_hbm.at[idx_v.at[jn]], rows_v.at[b], gsem[b]
                )

        return carry

    lax.fori_loop(0, NG, group, 0)

    for b in range(NBUF):
        j = (NG - 1) * NBUF + b
        pltpu.make_async_copy(rows_v.at[b], out_hbm.at[wid * NCH + j], wsem[b]).wait()


def kernel(embedding_property, table):
    nb, ns = embedding_property.shape
    idx = embedding_property.astype(jnp.int32).T.reshape(NW, NCH, C)
    out = _gather_kernel(idx, table)
    return out.reshape(ns, nb, D).transpose(1, 0, 2)

# --- scband reference (transcript-rebuilt; emitter-appended) ---
"""Pipeline reference for scband-cgbead-embedding-936302871136 (READ-ONLY COPY).

The authoritative reference and input builder live on the scoring server;
editing this copy changes nothing except your own understanding.
"""

import jax, jax.numpy as jnp
import numpy as np

NUM_EMBEDDINGS = 100000
EMBEDDING_DIM = 128

def setup_inputs(seed: int = 0) -> dict:
    key = jax.random.key(seed)
    k_idx, k_tab = jax.random.split(key)
    embedding_property = jax.random.randint(k_idx, (4096, 50), 0, NUM_EMBEDDINGS)
    table = jax.random.normal(k_tab, (NUM_EMBEDDINGS, EMBEDDING_DIM), dtype=jnp.float32)
    # nn.Embedding(padding_idx=0) initializes row 0 to zeros
    table = table.at[0].set(0.0)
    return {"embedding_property": embedding_property, "table": table}

def reference(embedding_property, table):
    # Faithful translation of nn.Embedding lookup: gather rows of table by index
    return jnp.take(table, embedding_property, axis=0)

if __name__ == "__main__":
    import jax
    _d = setup_inputs()
    print(jax.jit(kernel)(*tuple(_d.values())))

</pallas_src>

<mosaic_0001>
#map = affine_map<(d0, d1) -> (0, 0, 0)>
#map1 = affine_map<(d0, d1) -> (0, 0)>
module attributes {stable_mosaic.version = 14 : i64} {
  func.func @_gather_kernel(%arg0: i32, %arg1: i32, %arg2: memref<32x64x100xi32, #tpu.memory_space<hbm>>, %arg3: memref<100000x128xf32, #tpu.memory_space<hbm>>, %arg4: memref<2048x100x128xf32, #tpu.memory_space<hbm>>, %arg5: memref<64x100xi32, #tpu.memory_space<vmem>>, %arg6: memref<8x100x128xf32, #tpu.memory_space<vmem>>, %arg7: memref<!tpu.dma_semaphore, #tpu.memory_space<semaphore_mem>>, %arg8: memref<!tpu.dma_semaphore, #tpu.memory_space<semaphore_mem>>, %arg9: memref<!tpu.dma_semaphore, #tpu.memory_space<semaphore_mem>>, %arg10: memref<!tpu.dma_semaphore, #tpu.memory_space<semaphore_mem>>, %arg11: memref<!tpu.dma_semaphore, #tpu.memory_space<semaphore_mem>>, %arg12: memref<!tpu.dma_semaphore, #tpu.memory_space<semaphore_mem>>, %arg13: memref<!tpu.dma_semaphore, #tpu.memory_space<semaphore_mem>>, %arg14: memref<!tpu.dma_semaphore, #tpu.memory_space<semaphore_mem>>, %arg15: memref<!tpu.dma_semaphore, #tpu.memory_space<semaphore_mem>>, %arg16: memref<!tpu.dma_semaphore, #tpu.memory_space<semaphore_mem>>, %arg17: memref<!tpu.dma_semaphore, #tpu.memory_space<semaphore_mem>>, %arg18: memref<!tpu.dma_semaphore, #tpu.memory_space<semaphore_mem>>, %arg19: memref<!tpu.dma_semaphore, #tpu.memory_space<semaphore_mem>>, %arg20: memref<!tpu.dma_semaphore, #tpu.memory_space<semaphore_mem>>, %arg21: memref<!tpu.dma_semaphore, #tpu.memory_space<semaphore_mem>>, %arg22: memref<!tpu.dma_semaphore, #tpu.memory_space<semaphore_mem>>) attributes {dimension_semantics = [#tpu.dimension_semantics<core_parallel>, #tpu.dimension_semantics<subcore_parallel>], iteration_bounds = array<i64: 2, 16>, scalar_prefetch = 0 : i64, scratch_operands = 18 : i64, tpu.core_type = #tpu.core_type<sc_vector_subcore>, window_params = [{transform_indices = #map}, {transform_indices = #map1}, {transform_indices = #map}]} {
    %mul3A = arith.constant 2 : i32
    %mul3A_0 = arith.muli %arg1, %mul3A : i32
    %add3A = arith.addi %mul3A_0, %arg0 : i32
    "tpu.region"() ({
      %run_scoped3A = tpu.sem_alloc : memref<!tpu.dma_semaphore, #tpu.memory_space<semaphore_mem>>
      %dma_start3A_268 = arith.constant 0 : i32
      %dma_start3A_269 = arith.constant 0 : i32
      %dma_start3A_270 = tpu.memref_slice %arg2[%add3A, %dma_start3A_268, %dma_start3A_269] : memref<32x64x100xi32, #tpu.memory_space<hbm>> -> memref<1x64x100xi32, #tpu.memory_space<hbm>>
      %dma_start3A_271 = tpu.memref_squeeze %dma_start3A_270 : memref<1x64x100xi32, #tpu.memory_space<hbm>> -> memref<64x100xi32, #tpu.memory_space<hbm>>
      %dma_start3A_272 = arith.constant 0 : i32
      %dma_start3A_273 = arith.constant 0 : i32
      %dma_start3A_274 = tpu.memref_slice %arg2[%add3A, %dma_start3A_272, %dma_start3A_273] : memref<32x64x100xi32, #tpu.memory_space<hbm>> -> memref<1x64x100xi32, #tpu.memory_space<hbm>>
      %dma_start3A_275 = tpu.memref_squeeze %dma_start3A_274 : memref<1x64x100xi32, #tpu.memory_space<hbm>> -> memref<64x100xi32, #tpu.memory_space<hbm>>
      tpu.enqueue_dma source(%dma_start3A_275 : memref<64x100xi32, #tpu.memory_space<hbm>>) target(%arg5 : memref<64x100xi32, #tpu.memory_space<vmem>>) target_semaphore(%run_scoped3A : memref<!tpu.dma_semaphore, #tpu.memory_space<semaphore_mem>>)
      %dma_wait3A_276 = arith.constant 0 : i32
      %dma_wait3A_277 = arith.constant 0 : i32
      %dma_wait3A_278 = tpu.memref_slice %arg2[%add3A, %dma_wait3A_276, %dma_wait3A_277] : memref<32x64x100xi32, #tpu.memory_space<hbm>> -> memref<1x64x100xi32, #tpu.memory_space<hbm>>
      %dma_wait3A_279 = tpu.memref_squeeze %dma_wait3A_278 : memref<1x64x100xi32, #tpu.memory_space<hbm>> -> memref<64x100xi32, #tpu.memory_space<hbm>>
      %dma_wait3A_280 = arith.constant 0 : i32
      %dma_wait3A_281 = arith.constant 0 : i32
      %dma_wait3A_282 = tpu.memref_slice %arg2[%add3A, %dma_wait3A_280, %dma_wait3A_281] : memref<32x64x100xi32, #tpu.memory_space<hbm>> -> memref<1x64x100xi32, #tpu.memory_space<hbm>>
      %dma_wait3A_283 = tpu.memref_squeeze %dma_wait3A_282 : memref<1x64x100xi32, #tpu.memory_space<hbm>> -> memref<64x100xi32, #tpu.memory_space<hbm>>
      tpu.wait_dma2 semaphore(%run_scoped3A : memref<!tpu.dma_semaphore, #tpu.memory_space<semaphore_mem>>) src(%dma_wait3A_283 : memref<64x100xi32, #tpu.memory_space<hbm>>) dst(%arg5 : memref<64x100xi32, #tpu.memory_space<vmem>>)
      tpu.yield
    }) : () -> ()
    %dma_start3A = arith.constant 0 : i32
    %dma_start3A_1 = arith.constant 0 : i32
    %dma_start3A_2 = arith.constant 0 : i32
    %dma_start3A_3 = arith.constant 0 : i32
    %dma_start3A_4 = tpu.memref_slice %arg6[%dma_start3A_1, %dma_start3A_2, %dma_start3A_3] : memref<8x100x128xf32, #tpu.memory_space<vmem>> -> memref<1x100x128xf32, #tpu.memory_space<vmem>>
    %dma_start3A_5 = tpu.memref_squeeze %dma_start3A_4 : memref<1x100x128xf32, #tpu.memory_space<vmem>> -> memref<100x128xf32, #tpu.memory_space<vmem>>
    %dma_start3A_6 = arith.constant 0 : i32
    %dma_start3A_7 = tpu.memref_slice %arg5[%dma_start3A, %dma_start3A_6] : memref<64x100xi32, #tpu.memory_space<vmem>> -> memref<1x100xi32, #tpu.memory_space<vmem>>
    %dma_start3A_8 = tpu.memref_squeeze %dma_start3A_7 : memref<1x100xi32, #tpu.memory_space<vmem>> -> memref<100xi32, #tpu.memory_space<vmem>>
    %dma_start3A_9 = arith.constant 0 : i32
    %dma_start3A_10 = arith.constant 0 : i32
    %dma_start3A_11 = tpu.memref_slice %arg3[%dma_start3A_9, %dma_start3A_10] : memref<100000x128xf32, #tpu.memory_space<hbm>> -> memref<100000x128xf32, #tpu.memory_space<hbm>>
    tpu.enqueue_indirect_dma source(%dma_start3A_11 : memref<100000x128xf32, #tpu.memory_space<hbm>>) target(%dma_start3A_5 : memref<100x128xf32, #tpu.memory_space<vmem>>) offsets(%dma_start3A_8 : memref<100xi32, #tpu.memory_space<vmem>>) semaphore(%arg7 : memref<!tpu.dma_semaphore, #tpu.memory_space<semaphore_mem>>)
    %dma_start3A_12 = arith.constant 1 : i32
    %dma_start3A_13 = arith.constant 1 : i32
    %dma_start3A_14 = arith.constant 0 : i32
    %dma_start3A_15 = arith.constant 0 : i32
    %dma_start3A_16 = tpu.memref_slice %arg6[%dma_start3A_13, %dma_start3A_14, %dma_start3A_15] : memref<8x100x128xf32, #tpu.memory_space<vmem>> -> memref<1x100x128xf32, #tpu.memory_space<vmem>>
    %dma_start3A_17 = tpu.memref_squeeze %dma_start3A_16 : memref<1x100x128xf32, #tpu.memory_space<vmem>> -> memref<100x128xf32, #tpu.memory_space<vmem>>
    %dma_start3A_18 = arith.constant 0 : i32
    %dma_start3A_19 = tpu.memref_slice %arg5[%dma_start3A_12, %dma_start3A_18] : memref<64x100xi32, #tpu.memory_space<vmem>> -> memref<1x100xi32, #tpu.memory_space<vmem>>
    %dma_start3A_20 = tpu.memref_squeeze %dma_start3A_19 : memref<1x100xi32, #tpu.memory_space<vmem>> -> memref<100xi32, #tpu.memory_space<vmem>>
    %dma_start3A_21 = arith.constant 0 : i32
    %dma_start3A_22 = arith.constant 0 : i32
    %dma_start3A_23 = tpu.memref_slice %arg3[%dma_start3A_21, %dma_start3A_22] : memref<100000x128xf32, #tpu.memory_space<hbm>> -> memref<100000x128xf32, #tpu.memory_space<hbm>>
    tpu.enqueue_indirect_dma source(%dma_start3A_23 : memref<100000x128xf32, #tpu.memory_space<hbm>>) target(%dma_start3A_17 : memref<100x128xf32, #tpu.memory_space<vmem>>) offsets(%dma_start3A_20 : memref<100xi32, #tpu.memory_space<vmem>>) semaphore(%arg8 : memref<!tpu.dma_semaphore, #tpu.memory_space<semaphore_mem>>)
    %dma_start3A_24 = arith.constant 2 : i32
    %dma_start3A_25 = arith.constant 2 : i32
    %dma_start3A_26 = arith.constant 0 : i32
    %dma_start3A_27 = arith.constant 0 : i32
    %dma_start3A_28 = tpu.memref_slice %arg6[%dma_start3A_25, %dma_start3A_26, %dma_start3A_27] : memref<8x100x128xf32, #tpu.memory_space<vmem>> -> memref<1x100x128xf32, #tpu.memory_space<vmem>>
    %dma_start3A_29 = tpu.memref_squeeze %dma_start3A_28 : memref<1x100x128xf32, #tpu.memory_space<vmem>> -> memref<100x128xf32, #tpu.memory_space<vmem>>
    %dma_start3A_30 = arith.constant 0 : i32
    %dma_start3A_31 = tpu.memref_slice %arg5[%dma_start3A_24, %dma_start3A_30] : memref<64x100xi32, #tpu.memory_space<vmem>> -> memref<1x100xi32, #tpu.memory_space<vmem>>
    %dma_start3A_32 = tpu.memref_squeeze %dma_start3A_31 : memref<1x100xi32, #tpu.memory_space<vmem>> -> memref<100xi32, #tpu.memory_space<vmem>>
    %dma_start3A_33 = arith.constant 0 : i32
    %dma_start3A_34 = arith.constant 0 : i32
    %dma_start3A_35 = tpu.memref_slice %arg3[%dma_start3A_33, %dma_start3A_34] : memref<100000x128xf32, #tpu.memory_space<hbm>> -> memref<100000x128xf32, #tpu.memory_space<hbm>>
    tpu.enqueue_indirect_dma source(%dma_start3A_35 : memref<100000x128xf32, #tpu.memory_space<hbm>>) target(%dma_start3A_29 : memref<100x128xf32, #tpu.memory_space<vmem>>) offsets(%dma_start3A_32 : memref<100xi32, #tpu.memory_space<vmem>>) semaphore(%arg9 : memref<!tpu.dma_semaphore, #tpu.memory_space<semaphore_mem>>)
    %dma_start3A_36 = arith.constant 3 : i32
    %dma_start3A_37 = arith.constant 3 : i32
    %dma_start3A_38 = arith.constant 0 : i32
    %dma_start3A_39 = arith.constant 0 : i32
    %dma_start3A_40 = tpu.memref_slice %arg6[%dma_start3A_37, %dma_start3A_38, %dma_start3A_39] : memref<8x100x128xf32, #tpu.memory_space<vmem>> -> memref<1x100x128xf32, #tpu.memory_space<vmem>>
    %dma_start3A_41 = tpu.memref_squeeze %dma_start3A_40 : memref<1x100x128xf32, #tpu.memory_space<vmem>> -> memref<100x128xf32, #tpu.memory_space<vmem>>
    %dma_start3A_42 = arith.constant 0 : i32
    %dma_start3A_43 = tpu.memref_slice %arg5[%dma_start3A_36, %dma_start3A_42] : memref<64x100xi32, #tpu.memory_space<vmem>> -> memref<1x100xi32, #tpu.memory_space<vmem>>
    %dma_start3A_44 = tpu.memref_squeeze %dma_start3A_43 : memref<1x100xi32, #tpu.memory_space<vmem>> -> memref<100xi32, #tpu.memory_space<vmem>>
    %dma_start3A_45 = arith.constant 0 : i32
    %dma_start3A_46 = arith.constant 0 : i32
    %dma_start3A_47 = tpu.memref_slice %arg3[%dma_start3A_45, %dma_start3A_46] : memref<100000x128xf32, #tpu.memory_space<hbm>> -> memref<100000x128xf32, #tpu.memory_space<hbm>>
    tpu.enqueue_indirect_dma source(%dma_start3A_47 : memref<100000x128xf32, #tpu.memory_space<hbm>>) target(%dma_start3A_41 : memref<100x128xf32, #tpu.memory_space<vmem>>) offsets(%dma_start3A_44 : memref<100xi32, #tpu.memory_space<vmem>>) semaphore(%arg10 : memref<!tpu.dma_semaphore, #tpu.memory_space<semaphore_mem>>)
    %dma_start3A_48 = arith.constant 4 : i32
    %dma_start3A_49 = arith.constant 4 : i32
    %dma_start3A_50 = arith.constant 0 : i32
    %dma_start3A_51 = arith.constant 0 : i32
    %dma_start3A_52 = tpu.memref_slice %arg6[%dma_start3A_49, %dma_start3A_50, %dma_start3A_51] : memref<8x100x128xf32, #tpu.memory_space<vmem>> -> memref<1x100x128xf32, #tpu.memory_space<vmem>>
    %dma_start3A_53 = tpu.memref_squeeze %dma_start3A_52 : memref<1x100x128xf32, #tpu.memory_space<vmem>> -> memref<100x128xf32, #tpu.memory_space<vmem>>
    %dma_start3A_54 = arith.constant 0 : i32
    %dma_start3A_55 = tpu.memref_slice %arg5[%dma_start3A_48, %dma_start3A_54] : memref<64x100xi32, #tpu.memory_space<vmem>> -> memref<1x100xi32, #tpu.memory_space<vmem>>
    %dma_start3A_56 = tpu.memref_squeeze %dma_start3A_55 : memref<1x100xi32, #tpu.memory_space<vmem>> -> memref<100xi32, #tpu.memory_space<vmem>>
    %dma_start3A_57 = arith.constant 0 : i32
    %dma_start3A_58 = arith.constant 0 : i32
    %dma_start3A_59 = tpu.memref_slice %arg3[%dma_start3A_57, %dma_start3A_58] : memref<100000x128xf32, #tpu.memory_space<hbm>> -> memref<100000x128xf32, #tpu.memory_space<hbm>>
    tpu.enqueue_indirect_dma source(%dma_start3A_59 : memref<100000x128xf32, #tpu.memory_space<hbm>>) target(%dma_start3A_53 : memref<100x128xf32, #tpu.memory_space<vmem>>) offsets(%dma_start3A_56 : memref<100xi32, #tpu.memory_space<vmem>>) semaphore(%arg11 : memref<!tpu.dma_semaphore, #tpu.memory_space<semaphore_mem>>)
    %dma_start3A_60 = arith.constant 5 : i32
    %dma_start3A_61 = arith.constant 5 : i32
    %dma_start3A_62 = arith.constant 0 : i32
    %dma_start3A_63 = arith.constant 0 : i32
    %dma_start3A_64 = tpu.memref_slice %arg6[%dma_start3A_61, %dma_start3A_62, %dma_start3A_63] : memref<8x100x128xf32, #tpu.memory_space<vmem>> -> memref<1x100x128xf32, #tpu.memory_space<vmem>>
    %dma_start3A_65 = tpu.memref_squeeze %dma_start3A_64 : memref<1x100x128xf32, #tpu.memory_space<vmem>> -> memref<100x128xf32, #tpu.memory_space<vmem>>
    %dma_start3A_66 = arith.constant 0 : i32
    %dma_start3A_67 = tpu.memref_slice %arg5[%dma_start3A_60, %dma_start3A_66] : memref<64x100xi32, #tpu.memory_space<vmem>> -> memref<1x100xi32, #tpu.memory_space<vmem>>
    %dma_start3A_68 = tpu.memref_squeeze %dma_start3A_67 : memref<1x100xi32, #tpu.memory_space<vmem>> -> memref<100xi32, #tpu.memory_space<vmem>>
    %dma_start3A_69 = arith.constant 0 : i32
    %dma_start3A_70 = arith.constant 0 : i32
    %dma_start3A_71 = tpu.memref_slice %arg3[%dma_start3A_69, %dma_start3A_70] : memref<100000x128xf32, #tpu.memory_space<hbm>> -> memref<100000x128xf32, #tpu.memory_space<hbm>>
    tpu.enqueue_indirect_dma source(%dma_start3A_71 : memref<100000x128xf32, #tpu.memory_space<hbm>>) target(%dma_start3A_65 : memref<100x128xf32, #tpu.memory_space<vmem>>) offsets(%dma_start3A_68 : memref<100xi32, #tpu.memory_space<vmem>>) semaphore(%arg12 : memref<!tpu.dma_semaphore, #tpu.memory_space<semaphore_mem>>)
    %dma_start3A_72 = arith.constant 6 : i32
    %dma_start3A_73 = arith.constant 6 : i32
    %dma_start3A_74 = arith.constant 0 : i32
    %dma_start3A_75 = arith.constant 0 : i32
    %dma_start3A_76 = tpu.memref_slice %arg6[%dma_start3A_73, %dma_start3A_74, %dma_start3A_75] : memref<8x100x128xf32, #tpu.memory_space<vmem>> -> memref<1x100x128xf32, #tpu.memory_space<vmem>>
    %dma_start3A_77 = tpu.memref_squeeze %dma_start3A_76 : memref<1x100x128xf32, #tpu.memory_space<vmem>> -> memref<100x128xf32, #tpu.memory_space<vmem>>
    %dma_start3A_78 = arith.constant 0 : i32
    %dma_start3A_79 = tpu.memref_slice %arg5[%dma_start3A_72, %dma_start3A_78] : memref<64x100xi32, #tpu.memory_space<vmem>> -> memref<1x100xi32, #tpu.memory_space<vmem>>
    %dma_start3A_80 = tpu.memref_squeeze %dma_start3A_79 : memref<1x100xi32, #tpu.memory_space<vmem>> -> memref<100xi32, #tpu.memory_space<vmem>>
    %dma_start3A_81 = arith.constant 0 : i32
    %dma_start3A_82 = arith.constant 0 : i32
    %dma_start3A_83 = tpu.memref_slice %arg3[%dma_start3A_81, %dma_start3A_82] : memref<100000x128xf32, #tpu.memory_space<hbm>> -> memref<100000x128xf32, #tpu.memory_space<hbm>>
    tpu.enqueue_indirect_dma source(%dma_start3A_83 : memref<100000x128xf32, #tpu.memory_space<hbm>>) target(%dma_start3A_77 : memref<100x128xf32, #tpu.memory_space<vmem>>) offsets(%dma_start3A_80 : memref<100xi32, #tpu.memory_space<vmem>>) semaphore(%arg13 : memref<!tpu.dma_semaphore, #tpu.memory_space<semaphore_mem>>)
    %dma_start3A_84 = arith.constant 7 : i32
    %dma_start3A_85 = arith.constant 7 : i32
    %dma_start3A_86 = arith.constant 0 : i32
    %dma_start3A_87 = arith.constant 0 : i32
    %dma_start3A_88 = tpu.memref_slice %arg6[%dma_start3A_85, %dma_start3A_86, %dma_start3A_87] : memref<8x100x128xf32, #tpu.memory_space<vmem>> -> memref<1x100x128xf32, #tpu.memory_space<vmem>>
    %dma_start3A_89 = tpu.memref_squeeze %dma_start3A_88 : memref<1x100x128xf32, #tpu.memory_space<vmem>> -> memref<100x128xf32, #tpu.memory_space<vmem>>
    %dma_start3A_90 = arith.constant 0 : i32
    %dma_start3A_91 = tpu.memref_slice %arg5[%dma_start3A_84, %dma_start3A_90] : memref<64x100xi32, #tpu.memory_space<vmem>> -> memref<1x100xi32, #tpu.memory_space<vmem>>
    %dma_start3A_92 = tpu.memref_squeeze %dma_start3A_91 : memref<1x100xi32, #tpu.memory_space<vmem>> -> memref<100xi32, #tpu.memory_space<vmem>>
    %dma_start3A_93 = arith.constant 0 : i32
    %dma_start3A_94 = arith.constant 0 : i32
    %dma_start3A_95 = tpu.memref_slice %arg3[%dma_start3A_93, %dma_start3A_94] : memref<100000x128xf32, #tpu.memory_space<hbm>> -> memref<100000x128xf32, #tpu.memory_space<hbm>>
    tpu.enqueue_indirect_dma source(%dma_start3A_95 : memref<100000x128xf32, #tpu.memory_space<hbm>>) target(%dma_start3A_89 : memref<100x128xf32, #tpu.memory_space<vmem>>) offsets(%dma_start3A_92 : memref<100xi32, #tpu.memory_space<vmem>>) semaphore(%arg14 : memref<!tpu.dma_semaphore, #tpu.memory_space<semaphore_mem>>)
    %scan3A = arith.constant 0 : i32
    %scan3A_96 = arith.constant 0 : i32
    %scan3A_97 = arith.constant 8 : i32
    %scan3A_98 = arith.addi %scan3A_96, %scan3A_97 : i32
    %scan3A_99 = arith.constant 1 : i32
    scf.for %scan3A_268 = %scan3A_96 to %scan3A_98 step %scan3A_99  : i32 {
      %mul3A_269 = arith.constant 8 : i32
      %mul3A_270 = arith.muli %scan3A_268, %mul3A_269 : i32
      %add3A_271 = arith.constant 0 : i32
      %add3A_272 = arith.addi %mul3A_270, %add3A_271 : i32
      %dma_wait3A_273 = arith.constant 0 : i32
      %dma_wait3A_274 = arith.constant 0 : i32
      %dma_wait3A_275 = arith.constant 0 : i32
      %dma_wait3A_276 = tpu.memref_slice %arg6[%dma_wait3A_273, %dma_wait3A_274, %dma_wait3A_275] : memref<8x100x128xf32, #tpu.memory_space<vmem>> -> memref<1x100x128xf32, #tpu.memory_space<vmem>>
      %dma_wait3A_277 = tpu.memref_squeeze %dma_wait3A_276 : memref<1x100x128xf32, #tpu.memory_space<vmem>> -> memref<100x128xf32, #tpu.memory_space<vmem>>
      %dma_wait3A_278 = arith.constant 0 : i32
      %dma_wait3A_279 = tpu.memref_slice %arg5[%add3A_272, %dma_wait3A_278] : memref<64x100xi32, #tpu.memory_space<vmem>> -> memref<1x100xi32, #tpu.memory_space<vmem>>
      %dma_wait3A_280 = tpu.memref_squeeze %dma_wait3A_279 : memref<1x100xi32, #tpu.memory_space<vmem>> -> memref<100xi32, #tpu.memory_space<vmem>>
      %dma_wait3A_281 = arith.constant 0 : i32
      %dma_wait3A_282 = arith.constant 0 : i32
      %dma_wait3A_283 = tpu.memref_slice %arg3[%dma_wait3A_281, %dma_wait3A_282] : memref<100000x128xf32, #tpu.memory_space<hbm>> -> memref<100000x128xf32, #tpu.memory_space<hbm>>
      tpu.wait_indirect_dma semaphore(%arg7 : memref<!tpu.dma_semaphore, #tpu.memory_space<semaphore_mem>>) src(%dma_wait3A_283 : memref<100000x128xf32, #tpu.memory_space<hbm>>) dst(%dma_wait3A_277 : memref<100x128xf32, #tpu.memory_space<vmem>>)
      %mul3A_284 = arith.constant 64 : i32
      %mul3A_285 = arith.muli %add3A, %mul3A_284 : i32
      %add3A_286 = arith.addi %mul3A_285, %add3A_272 : i32
      %dma_start3A_287 = arith.constant 0 : i32
      %dma_start3A_288 = arith.constant 0 : i32
      %dma_start3A_289 = arith.constant 0 : i32
      %dma_start3A_290 = tpu.memref_slice %arg6[%dma_start3A_287, %dma_start3A_288, %dma_start3A_289] : memref<8x100x128xf32, #tpu.memory_space<vmem>> -> memref<1x100x128xf32, #tpu.memory_space<vmem>>
      %dma_start3A_291 = tpu.memref_squeeze %dma_start3A_290 : memref<1x100x128xf32, #tpu.memory_space<vmem>> -> memref<100x128xf32, #tpu.memory_space<vmem>>
      %dma_start3A_292 = arith.constant 0 : i32
      %dma_start3A_293 = arith.constant 0 : i32
      %dma_start3A_294 = tpu.memref_slice %arg4[%add3A_286, %dma_start3A_292, %dma_start3A_293] : memref<2048x100x128xf32, #tpu.memory_space<hbm>> -> memref<1x100x128xf32, #tpu.memory_space<hbm>>
      %dma_start3A_295 = tpu.memref_squeeze %dma_start3A_294 : memref<1x100x128xf32, #tpu.memory_space<hbm>> -> memref<100x128xf32, #tpu.memory_space<hbm>>
      %dma_start3A_296 = arith.constant 0 : i32
      %dma_start3A_297 = arith.constant 0 : i32
      %dma_start3A_298 = tpu.memref_slice %arg4[%add3A_286, %dma_start3A_296, %dma_start3A_297] : memref<2048x100x128xf32, #tpu.memory_space<hbm>> -> memref<1x100x128xf32, #tpu.memory_space<hbm>>
      %dma_start3A_299 = tpu.memref_squeeze %dma_start3A_298 : memref<1x100x128xf32, #tpu.memory_space<hbm>> -> memref<100x128xf32, #tpu.memory_space<hbm>>
      %dma_start3A_300 = arith.constant 0 : i32
      %dma_start3A_301 = arith.constant 0 : i32
      %dma_start3A_302 = tpu.memref_slice %arg6[%dma_start3A_287, %dma_start3A_300, %dma_start3A_301] : memref<8x100x128xf32, #tpu.memory_space<vmem>> -> memref<1x100x128xf32, #tpu.memory_space<vmem>>
      %dma_start3A_303 = tpu.memref_squeeze %dma_start3A_302 : memref<1x100x128xf32, #tpu.memory_space<vmem>> -> memref<100x128xf32, #tpu.memory_space<vmem>>
      tpu.enqueue_dma source(%dma_start3A_303 : memref<100x128xf32, #tpu.memory_space<vmem>>) target(%dma_start3A_299 : memref<100x128xf32, #tpu.memory_space<hbm>>) target_semaphore(%arg15 : memref<!tpu.dma_semaphore, #tpu.memory_space<semaphore_mem>>)
      %mul3A_304 = arith.constant 8 : i32
      %mul3A_305 = arith.muli %scan3A_268, %mul3A_304 : i32
      %add3A_306 = arith.constant 1 : i32
      %add3A_307 = arith.addi %mul3A_305, %add3A_306 : i32
      %dma_wait3A_308 = arith.constant 1 : i32
      %dma_wait3A_309 = arith.constant 0 : i32
      %dma_wait3A_310 = arith.constant 0 : i32
      %dma_wait3A_311 = tpu.memref_slice %arg6[%dma_wait3A_308, %dma_wait3A_309, %dma_wait3A_310] : memref<8x100x128xf32, #tpu.memory_space<vmem>> -> memref<1x100x128xf32, #tpu.memory_space<vmem>>
      %dma_wait3A_312 = tpu.memref_squeeze %dma_wait3A_311 : memref<1x100x128xf32, #tpu.memory_space<vmem>> -> memref<100x128xf32, #tpu.memory_space<vmem>>
      %dma_wait3A_313 = arith.constant 0 : i32
      %dma_wait3A_314 = tpu.memref_slice %arg5[%add3A_307, %dma_wait3A_313] : memref<64x100xi32, #tpu.memory_space<vmem>> -> memref<1x100xi32, #tpu.memory_space<vmem>>
      %dma_wait3A_315 = tpu.memref_squeeze %dma_wait3A_314 : memref<1x100xi32, #tpu.memory_space<vmem>> -> memref<100xi32, #tpu.memory_space<vmem>>
      %dma_wait3A_316 = arith.constant 0 : i32
      %dma_wait3A_317 = arith.constant 0 : i32
      %dma_wait3A_318 = tpu.memref_slice %arg3[%dma_wait3A_316, %dma_wait3A_317] : memref<100000x128xf32, #tpu.memory_space<hbm>> -> memref<100000x128xf32, #tpu.memory_space<hbm>>
      tpu.wait_indirect_dma semaphore(%arg8 : memref<!tpu.dma_semaphore, #tpu.memory_space<semaphore_mem>>) src(%dma_wait3A_318 : memref<100000x128xf32, #tpu.memory_space<hbm>>) dst(%dma_wait3A_312 : memref<100x128xf32, #tpu.memory_space<vmem>>)
      %mul3A_319 = arith.constant 64 : i32
      %mul3A_320 = arith.muli %add3A, %mul3A_319 : i32
      %add3A_321 = arith.addi %mul3A_320, %add3A_307 : i32
      %dma_start3A_322 = arith.constant 1 : i32
      %dma_start3A_323 = arith.constant 0 : i32
      %dma_start3A_324 = arith.constant 0 : i32
      %dma_start3A_325 = tpu.memref_slice %arg6[%dma_start3A_322, %dma_start3A_323, %dma_start3A_324] : memref<8x100x128xf32, #tpu.memory_space<vmem>> -> memref<1x100x128xf32, #tpu.memory_space<vmem>>
      %dma_start3A_326 = tpu.memref_squeeze %dma_start3A_325 : memref<1x100x128xf32, #tpu.memory_space<vmem>> -> memref<100x128xf32, #tpu.memory_space<vmem>>
      %dma_start3A_327 = arith.constant 0 : i32
      %dma_start3A_328 = arith.constant 0 : i32
      %dma_start3A_329 = tpu.memref_slice %arg4[%add3A_321, %dma_start3A_327, %dma_start3A_328] : memref<2048x100x128xf32, #tpu.memory_space<hbm>> -> memref<1x100x128xf32, #tpu.memory_space<hbm>>
      %dma_start3A_330 = tpu.memref_squeeze %dma_start3A_329 : memref<1x100x128xf32, #tpu.memory_space<hbm>> -> memref<100x128xf32, #tpu.memory_space<hbm>>
      %dma_start3A_331 = arith.constant 0 : i32
      %dma_start3A_332 = arith.constant 0 : i32
      %dma_start3A_333 = tpu.memref_slice %arg4[%add3A_321, %dma_start3A_331, %dma_start3A_332] : memref<2048x100x128xf32, #tpu.memory_space<hbm>> -> memref<1x100x128xf32, #tpu.memory_space<hbm>>
      %dma_start3A_334 = tpu.memref_squeeze %dma_start3A_333 : memref<1x100x128xf32, #tpu.memory_space<hbm>> -> memref<100x128xf32, #tpu.memory_space<hbm>>
      %dma_start3A_335 = arith.constant 0 : i32
      %dma_start3A_336 = arith.constant 0 : i32
      %dma_start3A_337 = tpu.memref_slice %arg6[%dma_start3A_322, %dma_start3A_335, %dma_start3A_336] : memref<8x100x128xf32, #tpu.memory_space<vmem>> -> memref<1x100x128xf32, #tpu.memory_space<vmem>>
      %dma_start3A_338 = tpu.memref_squeeze %dma_start3A_337 : memref<1x100x128xf32, #tpu.memory_space<vmem>> -> memref<100x128xf32, #tpu.memory_space<vmem>>
      tpu.enqueue_dma source(%dma_start3A_338 : memref<100x128xf32, #tpu.memory_space<vmem>>) target(%dma_start3A_334 : memref<100x128xf32, #tpu.memory_space<hbm>>) target_semaphore(%arg16 : memref<!tpu.dma_semaphore, #tpu.memory_space<semaphore_mem>>)
      %mul3A_339 = arith.constant 8 : i32
      %mul3A_340 = arith.muli %scan3A_268, %mul3A_339 : i32
      %add3A_341 = arith.constant 2 : i32
      %add3A_342 = arith.addi %mul3A_340, %add3A_341 : i32
      %dma_wait3A_343 = arith.constant 2 : i32
      %dma_wait3A_344 = arith.constant 0 : i32
      %dma_wait3A_345 = arith.constant 0 : i32
      %dma_wait3A_346 = tpu.memref_slice %arg6[%dma_wait3A_343, %dma_wait3A_344, %dma_wait3A_345] : memref<8x100x128xf32, #tpu.memory_space<vmem>> -> memref<1x100x128xf32, #tpu.memory_space<vmem>>
      %dma_wait3A_347 = tpu.memref_squeeze %dma_wait3A_346 : memref<1x100x128xf32, #tpu.memory_space<vmem>> -> memref<100x128xf32, #tpu.memory_space<vmem>>
      %dma_wait3A_348 = arith.constant 0 : i32
      %dma_wait3A_349 = tpu.memref_slice %arg5[%add3A_342, %dma_wait3A_348] : memref<64x100xi32, #tpu.memory_space<vmem>> -> memref<1x100xi32, #tpu.memory_space<vmem>>
      %dma_wait3A_350 = tpu.memref_squeeze %dma_wait3A_349 : memref<1x100xi32, #tpu.memory_space<vmem>> -> memref<100xi32, #tpu.memory_space<vmem>>
      %dma_wait3A_351 = arith.constant 0 : i32
      %dma_wait3A_352 = arith.constant 0 : i32
      %dma_wait3A_353 = tpu.memref_slice %arg3[%dma_wait3A_351, %dma_wait3A_352] : memref<100000x128xf32, #tpu.memory_space<hbm>> -> memref<100000x128xf32, #tpu.memory_space<hbm>>
      tpu.wait_indirect_dma semaphore(%arg9 : memref<!tpu.dma_semaphore, #tpu.memory_space<semaphore_mem>>) src(%dma_wait3A_353 : memref<100000x128xf32, #tpu.memory_space<hbm>>) dst(%dma_wait3A_347 : memref<100x128xf32, #tpu.memory_space<vmem>>)
      %mul3A_354 = arith.constant 64 : i32
      %mul3A_355 = arith.muli %add3A, %mul3A_354 : i32
      %add3A_356 = arith.addi %mul3A_355, %add3A_342 : i32
      %dma_start3A_357 = arith.constant 2 : i32
      %dma_start3A_358 = arith.constant 0 : i32
      %dma_start3A_359 = arith.constant 0 : i32
      %dma_start3A_360 = tpu.memref_slice %arg6[%dma_start3A_357, %dma_start3A_358, %dma_start3A_359] : memref<8x100x128xf32, #tpu.memory_space<vmem>> -> memref<1x100x128xf32, #tpu.memory_space<vmem>>
      %dma_start3A_361 = tpu.memref_squeeze %dma_start3A_360 : memref<1x100x128xf32, #tpu.memory_space<vmem>> -> memref<100x128xf32, #tpu.memory_space<vmem>>
      %dma_start3A_362 = arith.constant 0 : i32
      %dma_start3A_363 = arith.constant 0 : i32
      %dma_start3A_364 = tpu.memref_slice %arg4[%add3A_356, %dma_start3A_362, %dma_start3A_363] : memref<2048x100x128xf32, #tpu.memory_space<hbm>> -> memref<1x100x128xf32, #tpu.memory_space<hbm>>
      %dma_start3A_365 = tpu.memref_squeeze %dma_start3A_364 : memref<1x100x128xf32, #tpu.memory_space<hbm>> -> memref<100x128xf32, #tpu.memory_space<hbm>>
      %dma_start3A_366 = arith.constant 0 : i32
      %dma_start3A_367 = arith.constant 0 : i32
      %dma_start3A_368 = tpu.memref_slice %arg4[%add3A_356, %dma_start3A_366, %dma_start3A_367] : memref<2048x100x128xf32, #tpu.memory_space<hbm>> -> memref<1x100x128xf32, #tpu.memory_space<hbm>>
      %dma_start3A_369 = tpu.memref_squeeze %dma_start3A_368 : memref<1x100x128xf32, #tpu.memory_space<hbm>> -> memref<100x128xf32, #tpu.memory_space<hbm>>
      %dma_start3A_370 = arith.constant 0 : i32
      %dma_start3A_371 = arith.constant 0 : i32
      %dma_start3A_372 = tpu.memref_slice %arg6[%dma_start3A_357, %dma_start3A_370, %dma_start3A_371] : memref<8x100x128xf32, #tpu.memory_space<vmem>> -> memref<1x100x128xf32, #tpu.memory_space<vmem>>
      %dma_start3A_373 = tpu.memref_squeeze %dma_start3A_372 : memref<1x100x128xf32, #tpu.memory_space<vmem>> -> memref<100x128xf32, #tpu.memory_space<vmem>>
      tpu.enqueue_dma source(%dma_start3A_373 : memref<100x128xf32, #tpu.memory_space<vmem>>) target(%dma_start3A_369 : memref<100x128xf32, #tpu.memory_space<hbm>>) target_semaphore(%arg17 : memref<!tpu.dma_semaphore, #tpu.memory_space<semaphore_mem>>)
      %mul3A_374 = arith.constant 8 : i32
      %mul3A_375 = arith.muli %scan3A_268, %mul3A_374 : i32
      %add3A_376 = arith.constant 3 : i32
      %add3A_377 = arith.addi %mul3A_375, %add3A_376 : i32
      %dma_wait3A_378 = arith.constant 3 : i32
      %dma_wait3A_379 = arith.constant 0 : i32
      %dma_wait3A_380 = arith.constant 0 : i32
      %dma_wait3A_381 = tpu.memref_slice %arg6[%dma_wait3A_378, %dma_wait3A_379, %dma_wait3A_380] : memref<8x100x128xf32, #tpu.memory_space<vmem>> -> memref<1x100x128xf32, #tpu.memory_space<vmem>>
      %dma_wait3A_382 = tpu.memref_squeeze %dma_wait3A_381 : memref<1x100x128xf32, #tpu.memory_space<vmem>> -> memref<100x128xf32, #tpu.memory_space<vmem>>
      %dma_wait3A_383 = arith.constant 0 : i32
      %dma_wait3A_384 = tpu.memref_slice %arg5[%add3A_377, %dma_wait3A_383] : memref<64x100xi32, #tpu.memory_space<vmem>> -> memref<1x100xi32, #tpu.memory_space<vmem>>
      %dma_wait3A_385 = tpu.memref_squeeze %dma_wait3A_384 : memref<1x100xi32, #tpu.memory_space<vmem>> -> memref<100xi32, #tpu.memory_space<vmem>>
      %dma_wait3A_386 = arith.constant 0 : i32
      %dma_wait3A_387 = arith.constant 0 : i32
      %dma_wait3A_388 = tpu.memref_slice %arg3[%dma_wait3A_386, %dma_wait3A_387] : memref<100000x128xf32, #tpu.memory_space<hbm>> -> memref<100000x128xf32, #tpu.memory_space<hbm>>
      tpu.wait_indirect_dma semaphore(%arg10 : memref<!tpu.dma_semaphore, #tpu.memory_space<semaphore_mem>>) src(%dma_wait3A_388 : memref<100000x128xf32, #tpu.memory_space<hbm>>) dst(%dma_wait3A_382 : memref<100x128xf32, #tpu.memory_space<vmem>>)
      %mul3A_389 = arith.constant 64 : i32
      %mul3A_390 = arith.muli %add3A, %mul3A_389 : i32
      %add3A_391 = arith.addi %mul3A_390, %add3A_377 : i32
      %dma_start3A_392 = arith.constant 3 : i32
      %dma_start3A_393 = arith.constant 0 : i32
      %dma_start3A_394 = arith.constant 0 : i32
      %dma_start3A_395 = tpu.memref_slice %arg6[%dma_start3A_392, %dma_start3A_393, %dma_start3A_394] : memref<8x100x128xf32, #tpu.memory_space<vmem>> -> memref<1x100x128xf32, #tpu.memory_space<vmem>>
      %dma_start3A_396 = tpu.memref_squeeze %dma_start3A_395 : memref<1x100x128xf32, #tpu.memory_space<vmem>> -> memref<100x128xf32, #tpu.memory_space<vmem>>
      %dma_start3A_397 = arith.constant 0 : i32
      %dma_start3A_398 = arith.constant 0 : i32
      %dma_start3A_399 = tpu.memref_slice %arg4[%add3A_391, %dma_start3A_397, %dma_start3A_398] : memref<2048x100x128xf32, #tpu.memory_space<hbm>> -> memref<1x100x128xf32, #tpu.memory_space<hbm>>
      %dma_start3A_400 = tpu.memref_squeeze %dma_start3A_399 : memref<1x100x128xf32, #tpu.memory_space<hbm>> -> memref<100x128xf32, #tpu.memory_space<hbm>>
      %dma_start3A_401 = arith.constant 0 : i32
      %dma_start3A_402 = arith.constant 0 : i32
      %dma_start3A_403 = tpu.memref_slice %arg4[%add3A_391, %dma_start3A_401, %dma_start3A_402] : memref<2048x100x128xf32, #tpu.memory_space<hbm>> -> memref<1x100x128xf32, #tpu.memory_space<hbm>>
      %dma_start3A_404 = tpu.memref_squeeze %dma_start3A_403 : memref<1x100x128xf32, #tpu.memory_space<hbm>> -> memref<100x128xf32, #tpu.memory_space<hbm>>
      %dma_start3A_405 = arith.constant 0 : i32
      %dma_start3A_406 = arith.constant 0 : i32
      %dma_start3A_407 = tpu.memref_slice %arg6[%dma_start3A_392, %dma_start3A_405, %dma_start3A_406] : memref<8x100x128xf32, #tpu.memory_space<vmem>> -> memref<1x100x128xf32, #tpu.memory_space<vmem>>
      %dma_start3A_408 = tpu.memref_squeeze %dma_start3A_407 : memref<1x100x128xf32, #tpu.memory_space<vmem>> -> memref<100x128xf32, #tpu.memory_space<vmem>>
      tpu.enqueue_dma source(%dma_start3A_408 : memref<100x128xf32, #tpu.memory_space<vmem>>) target(%dma_start3A_404 : memref<100x128xf32, #tpu.memory_space<hbm>>) target_semaphore(%arg18 : memref<!tpu.dma_semaphore, #tpu.memory_space<semaphore_mem>>)
      %mul3A_409 = arith.constant 8 : i32
      %mul3A_410 = arith.muli %scan3A_268, %mul3A_409 : i32
      %add3A_411 = arith.constant 4 : i32
      %add3A_412 = arith.addi %mul3A_410, %add3A_411 : i32
      %dma_wait3A_413 = arith.constant 4 : i32
      %dma_wait3A_414 = arith.constant 0 : i32
      %dma_wait3A_415 = arith.constant 0 : i32
      %dma_wait3A_416 = tpu.memref_slice %arg6[%dma_wait3A_413, %dma_wait3A_414, %dma_wait3A_415] : memref<8x100x128xf32, #tpu.memory_space<vmem>> -> memref<1x100x128xf32, #tpu.memory_space<vmem>>
      %dma_wait3A_417 = tpu.memref_squeeze %dma_wait3A_416 : memref<1x100x128xf32, #tpu.memory_space<vmem>> -> memref<100x128xf32, #tpu.memory_space<vmem>>
      %dma_wait3A_418 = arith.constant 0 : i32
      %dma_wait3A_419 = tpu.memref_slice %arg5[%add3A_412, %dma_wait3A_418] : memref<64x100xi32, #tpu.memory_space<vmem>> -> memref<1x100xi32, #tpu.memory_space<vmem>>
      %dma_wait3A_420 = tpu.memref_squeeze %dma_wait3A_419 : memref<1x100xi32, #tpu.memory_space<vmem>> -> memref<100xi32, #tpu.memory_space<vmem>>
      %dma_wait3A_421 = arith.constant 0 : i32
      %dma_wait3A_422 = arith.constant 0 : i32
      %dma_wait3A_423 = tpu.memref_slice %arg3[%dma_wait3A_421, %dma_wait3A_422] : memref<100000x128xf32, #tpu.memory_space<hbm>> -> memref<100000x128xf32, #tpu.memory_space<hbm>>
      tpu.wait_indirect_dma semaphore(%arg11 : memref<!tpu.dma_semaphore, #tpu.memory_space<semaphore_mem>>) src(%dma_wait3A_423 : memref<100000x128xf32, #tpu.memory_space<hbm>>) dst(%dma_wait3A_417 : memref<100x128xf32, #tpu.memory_space<vmem>>)
      %mul3A_424 = arith.constant 64 : i32
      %mul3A_425 = arith.muli %add3A, %mul3A_424 : i32
      %add3A_426 = arith.addi %mul3A_425, %add3A_412 : i32
      %dma_start3A_427 = arith.constant 4 : i32
      %dma_start3A_428 = arith.constant 0 : i32
      %dma_start3A_429 = arith.constant 0 : i32
      %dma_start3A_430 = tpu.memref_slice %arg6[%dma_start3A_427, %dma_start3A_428, %dma_start3A_429] : memref<8x100x128xf32, #tpu.memory_space<vmem>> -> memref<1x100x128xf32, #tpu.memory_space<vmem>>
      %dma_start3A_431 = tpu.memref_squeeze %dma_start3A_430 : memref<1x100x128xf32, #tpu.memory_space<vmem>> -> memref<100x128xf32, #tpu.memory_space<vmem>>
      %dma_start3A_432 = arith.constant 0 : i32
      %dma_start3A_433 = arith.constant 0 : i32
      %dma_start3A_434 = tpu.memref_slice %arg4[%add3A_426, %dma_start3A_432, %dma_start3A_433] : memref<2048x100x128xf32, #tpu.memory_space<hbm>> -> memref<1x100x128xf32, #tpu.memory_space<hbm>>
      %dma_start3A_435 = tpu.memref_squeeze %dma_start3A_434 : memref<1x100x128xf32, #tpu.memory_space<hbm>> -> memref<100x128xf32, #tpu.memory_space<hbm>>
      %dma_start3A_436 = arith.constant 0 : i32
      %dma_start3A_437 = arith.constant 0 : i32
      %dma_start3A_438 = tpu.memref_slice %arg4[%add3A_426, %dma_start3A_436, %dma_start3A_437] : memref<2048x100x128xf32, #tpu.memory_space<hbm>> -> memref<1x100x128xf32, #tpu.memory_space<hbm>>
      %dma_start3A_439 = tpu.memref_squeeze %dma_start3A_438 : memref<1x100x128xf32, #tpu.memory_space<hbm>> -> memref<100x128xf32, #tpu.memory_space<hbm>>
      %dma_start3A_440 = arith.constant 0 : i32
      %dma_start3A_441 = arith.constant 0 : i32
      %dma_start3A_442 = tpu.memref_slice %arg6[%dma_start3A_427, %dma_start3A_440, %dma_start3A_441] : memref<8x100x128xf32, #tpu.memory_space<vmem>> -> memref<1x100x128xf32, #tpu.memory_space<vmem>>
      %dma_start3A_443 = tpu.memref_squeeze %dma_start3A_442 : memref<1x100x128xf32, #tpu.memory_space<vmem>> -> memref<100x128xf32, #tpu.memory_space<vmem>>
      tpu.enqueue_dma source(%dma_start3A_443 : memref<100x128xf32, #tpu.memory_space<vmem>>) target(%dma_start3A_439 : memref<100x128xf32, #tpu.memory_space<hbm>>) target_semaphore(%arg19 : memref<!tpu.dma_semaphore, #tpu.memory_space<semaphore_mem>>)
      %mul3A_444 = arith.constant 8 : i32
      %mul3A_445 = arith.muli %scan3A_268, %mul3A_444 : i32
      %add3A_446 = arith.constant 5 : i32
      %add3A_447 = arith.addi %mul3A_445, %add3A_446 : i32
      %dma_wait3A_448 = arith.constant 5 : i32
      %dma_wait3A_449 = arith.constant 0 : i32
      %dma_wait3A_450 = arith.constant 0 : i32
      %dma_wait3A_451 = tpu.memref_slice %arg6[%dma_wait3A_448, %dma_wait3A_449, %dma_wait3A_450] : memref<8x100x128xf32, #tpu.memory_space<vmem>> -> memref<1x100x128xf32, #tpu.memory_space<vmem>>
      %dma_wait3A_452 = tpu.memref_squeeze %dma_wait3A_451 : memref<1x100x128xf32, #tpu.memory_space<vmem>> -> memref<100x128xf32, #tpu.memory_space<vmem>>
      %dma_wait3A_453 = arith.constant 0 : i32
      %dma_wait3A_454 = tpu.memref_slice %arg5[%add3A_447, %dma_wait3A_453] : memref<64x100xi32, #tpu.memory_space<vmem>> -> memref<1x100xi32, #tpu.memory_space<vmem>>
      %dma_wait3A_455 = tpu.memref_squeeze %dma_wait3A_454 : memref<1x100xi32, #tpu.memory_space<vmem>> -> memref<100xi32, #tpu.memory_space<vmem>>
      %dma_wait3A_456 = arith.constant 0 : i32
      %dma_wait3A_457 = arith.constant 0 : i32
      %dma_wait3A_458 = tpu.memref_slice %arg3[%dma_wait3A_456, %dma_wait3A_457] : memref<100000x128xf32, #tpu.memory_space<hbm>> -> memref<100000x128xf32, #tpu.memory_space<hbm>>
      tpu.wait_indirect_dma semaphore(%arg12 : memref<!tpu.dma_semaphore, #tpu.memory_space<semaphore_mem>>) src(%dma_wait3A_458 : memref<100000x128xf32, #tpu.memory_space<hbm>>) dst(%dma_wait3A_452 : memref<100x128xf32, #tpu.memory_space<vmem>>)
      %mul3A_459 = arith.constant 64 : i32
      %mul3A_460 = arith.muli %add3A, %mul3A_459 : i32
      %add3A_461 = arith.addi %mul3A_460, %add3A_447 : i32
      %dma_start3A_462 = arith.constant 5 : i32
      %dma_start3A_463 = arith.constant 0 : i32
      %dma_start3A_464 = arith.constant 0 : i32
      %dma_start3A_465 = tpu.memref_slice %arg6[%dma_start3A_462, %dma_start3A_463, %dma_start3A_464] : memref<8x100x128xf32, #tpu.memory_space<vmem>> -> memref<1x100x128xf32, #tpu.memory_space<vmem>>
      %dma_start3A_466 = tpu.memref_squeeze %dma_start3A_465 : memref<1x100x128xf32, #tpu.memory_space<vmem>> -> memref<100x128xf32, #tpu.memory_space<vmem>>
      %dma_start3A_467 = arith.constant 0 : i32
      %dma_start3A_468 = arith.constant 0 : i32
      %dma_start3A_469 = tpu.memref_slice %arg4[%add3A_461, %dma_start3A_467, %dma_start3A_468] : memref<2048x100x128xf32, #tpu.memory_space<hbm>> -> memref<1x100x128xf32, #tpu.memory_space<hbm>>
      %dma_start3A_470 = tpu.memref_squeeze %dma_start3A_469 : memref<1x100x128xf32, #tpu.memory_space<hbm>> -> memref<100x128xf32, #tpu.memory_space<hbm>>
      %dma_start3A_471 = arith.constant 0 : i32
      %dma_start3A_472 = arith.constant 0 : i32
      %dma_start3A_473 = tpu.memref_slice %arg4[%add3A_461, %dma_start3A_471, %dma_start3A_472] : memref<2048x100x128xf32, #tpu.memory_space<hbm>> -> memref<1x100x128xf32, #tpu.memory_space<hbm>>
      %dma_start3A_474 = tpu.memref_squeeze %dma_start3A_473 : memref<1x100x128xf32, #tpu.memory_space<hbm>> -> memref<100x128xf32, #tpu.memory_space<hbm>>
      %dma_start3A_475 = arith.constant 0 : i32
      %dma_start3A_476 = arith.constant 0 : i32
      %dma_start3A_477 = tpu.memref_slice %arg6[%dma_start3A_462, %dma_start3A_475, %dma_start3A_476] : memref<8x100x128xf32, #tpu.memory_space<vmem>> -> memref<1x100x128xf32, #tpu.memory_space<vmem>>
      %dma_start3A_478 = tpu.memref_squeeze %dma_start3A_477 : memref<1x100x128xf32, #tpu.memory_space<vmem>> -> memref<100x128xf32, #tpu.memory_space<vmem>>
      tpu.enqueue_dma source(%dma_start3A_478 : memref<100x128xf32, #tpu.memory_space<vmem>>) target(%dma_start3A_474 : memref<100x128xf32, #tpu.memory_space<hbm>>) target_semaphore(%arg20 : memref<!tpu.dma_semaphore, #tpu.memory_space<semaphore_mem>>)
      %mul3A_479 = arith.constant 8 : i32
      %mul3A_480 = arith.muli %scan3A_268, %mul3A_479 : i32
      %add3A_481 = arith.constant 6 : i32
      %add3A_482 = arith.addi %mul3A_480, %add3A_481 : i32
      %dma_wait3A_483 = arith.constant 6 : i32
      %dma_wait3A_484 = arith.constant 0 : i32
      %dma_wait3A_485 = arith.constant 0 : i32
      %dma_wait3A_486 = tpu.memref_slice %arg6[%dma_wait3A_483, %dma_wait3A_484, %dma_wait3A_485] : memref<8x100x128xf32, #tpu.memory_space<vmem>> -> memref<1x100x128xf32, #tpu.memory_space<vmem>>
      %dma_wait3A_487 = tpu.memref_squeeze %dma_wait3A_486 : memref<1x100x128xf32, #tpu.memory_space<vmem>> -> memref<100x128xf32, #tpu.memory_space<vmem>>
      %dma_wait3A_488 = arith.constant 0 : i32
      %dma_wait3A_489 = tpu.memref_slice %arg5[%add3A_482, %dma_wait3A_488] : memref<64x100xi32, #tpu.memory_space<vmem>> -> memref<1x100xi32, #tpu.memory_space<vmem>>
      %dma_wait3A_490 = tpu.memref_squeeze %dma_wait3A_489 : memref<1x100xi32, #tpu.memory_space<vmem>> -> memref<100xi32, #tpu.memory_space<vmem>>
      %dma_wait3A_491 = arith.constant 0 : i32
      %dma_wait3A_492 = arith.constant 0 : i32
      %dma_wait3A_493 = tpu.memref_slice %arg3[%dma_wait3A_491, %dma_wait3A_492] : memref<100000x128xf32, #tpu.memory_space<hbm>> -> memref<100000x128xf32, #tpu.memory_space<hbm>>
      tpu.wait_indirect_dma semaphore(%arg13 : memref<!tpu.dma_semaphore, #tpu.memory_space<semaphore_mem>>) src(%dma_wait3A_493 : memref<100000x128xf32, #tpu.memory_space<hbm>>) dst(%dma_wait3A_487 : memref<100x128xf32, #tpu.memory_space<vmem>>)
      %mul3A_494 = arith.constant 64 : i32
      %mul3A_495 = arith.muli %add3A, %mul3A_494 : i32
      %add3A_496 = arith.addi %mul3A_495, %add3A_482 : i32
      %dma_start3A_497 = arith.constant 6 : i32
      %dma_start3A_498 = arith.constant 0 : i32
      %dma_start3A_499 = arith.constant 0 : i32
      %dma_start3A_500 = tpu.memref_slice %arg6[%dma_start3A_497, %dma_start3A_498, %dma_start3A_499] : memref<8x100x128xf32, #tpu.memory_space<vmem>> -> memref<1x100x128xf32, #tpu.memory_space<vmem>>
      %dma_start3A_501 = tpu.memref_squeeze %dma_start3A_500 : memref<1x100x128xf32, #tpu.memory_space<vmem>> -> memref<100x128xf32, #tpu.memory_space<vmem>>
      %dma_start3A_502 = arith.constant 0 : i32
      %dma_start3A_503 = arith.constant 0 : i32
      %dma_start3A_504 = tpu.memref_slice %arg4[%add3A_496, %dma_start3A_502, %dma_start3A_503] : memref<2048x100x128xf32, #tpu.memory_space<hbm>> -> memref<1x100x128xf32, #tpu.memory_space<hbm>>
      %dma_start3A_505 = tpu.memref_squeeze %dma_start3A_504 : memref<1x100x128xf32, #tpu.memory_space<hbm>> -> memref<100x128xf32, #tpu.memory_space<hbm>>
      %dma_start3A_506 = arith.constant 0 : i32
      %dma_start3A_507 = arith.constant 0 : i32
      %dma_start3A_508 = tpu.memref_slice %arg4[%add3A_496, %dma_start3A_506, %dma_start3A_507] : memref<2048x100x128xf32, #tpu.memory_space<hbm>> -> memref<1x100x128xf32, #tpu.memory_space<hbm>>
      %dma_start3A_509 = tpu.memref_squeeze %dma_start3A_508 : memref<1x100x128xf32, #tpu.memory_space<hbm>> -> memref<100x128xf32, #tpu.memory_space<hbm>>
      %dma_start3A_510 = arith.constant 0 : i32
      %dma_start3A_511 = arith.constant 0 : i32
      %dma_start3A_512 = tpu.memref_slice %arg6[%dma_start3A_497, %dma_start3A_510, %dma_start3A_511] : memref<8x100x128xf32, #tpu.memory_space<vmem>> -> memref<1x100x128xf32, #tpu.memory_space<vmem>>
      %dma_start3A_513 = tpu.memref_squeeze %dma_start3A_512 : memref<1x100x128xf32, #tpu.memory_space<vmem>> -> memref<100x128xf32, #tpu.memory_space<vmem>>
      tpu.enqueue_dma source(%dma_start3A_513 : memref<100x128xf32, #tpu.memory_space<vmem>>) target(%dma_start3A_509 : memref<100x128xf32, #tpu.memory_space<hbm>>) target_semaphore(%arg21 : memref<!tpu.dma_semaphore, #tpu.memory_space<semaphore_mem>>)
      %mul3A_514 = arith.constant 8 : i32
      %mul3A_515 = arith.muli %scan3A_268, %mul3A_514 : i32
      %add3A_516 = arith.constant 7 : i32
      %add3A_517 = arith.addi %mul3A_515, %add3A_516 : i32
      %dma_wait3A_518 = arith.constant 7 : i32
      %dma_wait3A_519 = arith.constant 0 : i32
      %dma_wait3A_520 = arith.constant 0 : i32
      %dma_wait3A_521 = tpu.memref_slice %arg6[%dma_wait3A_518, %dma_wait3A_519, %dma_wait3A_520] : memref<8x100x128xf32, #tpu.memory_space<vmem>> -> memref<1x100x128xf32, #tpu.memory_space<vmem>>
      %dma_wait3A_522 = tpu.memref_squeeze %dma_wait3A_521 : memref<1x100x128xf32, #tpu.memory_space<vmem>> -> memref<100x128xf32, #tpu.memory_space<vmem>>
      %dma_wait3A_523 = arith.constant 0 : i32
      %dma_wait3A_524 = tpu.memref_slice %arg5[%add3A_517, %dma_wait3A_523] : memref<64x100xi32, #tpu.memory_space<vmem>> -> memref<1x100xi32, #tpu.memory_space<vmem>>
      %dma_wait3A_525 = tpu.memref_squeeze %dma_wait3A_524 : memref<1x100xi32, #tpu.memory_space<vmem>> -> memref<100xi32, #tpu.memory_space<vmem>>
      %dma_wait3A_526 = arith.constant 0 : i32
      %dma_wait3A_527 = arith.constant 0 : i32
      %dma_wait3A_528 = tpu.memref_slice %arg3[%dma_wait3A_526, %dma_wait3A_527] : memref<100000x128xf32, #tpu.memory_space<hbm>> -> memref<100000x128xf32, #tpu.memory_space<hbm>>
      tpu.wait_indirect_dma semaphore(%arg14 : memref<!tpu.dma_semaphore, #tpu.memory_space<semaphore_mem>>) src(%dma_wait3A_528 : memref<100000x128xf32, #tpu.memory_space<hbm>>) dst(%dma_wait3A_522 : memref<100x128xf32, #tpu.memory_space<vmem>>)
      %mul3A_529 = arith.constant 64 : i32
      %mul3A_530 = arith.muli %add3A, %mul3A_529 : i32
      %add3A_531 = arith.addi %mul3A_530, %add3A_517 : i32
      %dma_start3A_532 = arith.constant 7 : i32
      %dma_start3A_533 = arith.constant 0 : i32
      %dma_start3A_534 = arith.constant 0 : i32
      %dma_start3A_535 = tpu.memref_slice %arg6[%dma_start3A_532, %dma_start3A_533, %dma_start3A_534] : memref<8x100x128xf32, #tpu.memory_space<vmem>> -> memref<1x100x128xf32, #tpu.memory_space<vmem>>
      %dma_start3A_536 = tpu.memref_squeeze %dma_start3A_535 : memref<1x100x128xf32, #tpu.memory_space<vmem>> -> memref<100x128xf32, #tpu.memory_space<vmem>>
      %dma_start3A_537 = arith.constant 0 : i32
      %dma_start3A_538 = arith.constant 0 : i32
      %dma_start3A_539 = tpu.memref_slice %arg4[%add3A_531, %dma_start3A_537, %dma_start3A_538] : memref<2048x100x128xf32, #tpu.memory_space<hbm>> -> memref<1x100x128xf32, #tpu.memory_space<hbm>>
      %dma_start3A_540 = tpu.memref_squeeze %dma_start3A_539 : memref<1x100x128xf32, #tpu.memory_space<hbm>> -> memref<100x128xf32, #tpu.memory_space<hbm>>
      %dma_start3A_541 = arith.constant 0 : i32
      %dma_start3A_542 = arith.constant 0 : i32
      %dma_start3A_543 = tpu.memref_slice %arg4[%add3A_531, %dma_start3A_541, %dma_start3A_542] : memref<2048x100x128xf32, #tpu.memory_space<hbm>> -> memref<1x100x128xf32, #tpu.memory_space<hbm>>
      %dma_start3A_544 = tpu.memref_squeeze %dma_start3A_543 : memref<1x100x128xf32, #tpu.memory_space<hbm>> -> memref<100x128xf32, #tpu.memory_space<hbm>>
      %dma_start3A_545 = arith.constant 0 : i32
      %dma_start3A_546 = arith.constant 0 : i32
      %dma_start3A_547 = tpu.memref_slice %arg6[%dma_start3A_532, %dma_start3A_545, %dma_start3A_546] : memref<8x100x128xf32, #tpu.memory_space<vmem>> -> memref<1x100x128xf32, #tpu.memory_space<vmem>>
      %dma_start3A_548 = tpu.memref_squeeze %dma_start3A_547 : memref<1x100x128xf32, #tpu.memory_space<vmem>> -> memref<100x128xf32, #tpu.memory_space<vmem>>
      tpu.enqueue_dma source(%dma_start3A_548 : memref<100x128xf32, #tpu.memory_space<vmem>>) target(%dma_start3A_544 : memref<100x128xf32, #tpu.memory_space<hbm>>) target_semaphore(%arg22 : memref<!tpu.dma_semaphore, #tpu.memory_space<semaphore_mem>>)
      %add3A_549 = arith.constant 1 : i32
      %add3A_550 = arith.addi %scan3A_268, %add3A_549 : i32
      %lt3A = arith.constant 8 : i32
      %lt3A_551 = arith.cmpi slt, %add3A_550, %lt3A : i32
      %convert_element_type3A = arith.extui %lt3A_551 : i1 to i32
      %cond3A = arith.constant 0 : i32
      %cond3A_552 = arith.cmpi ne, %convert_element_type3A, %cond3A : i32
      scf.if %cond3A_552 {
        %mul3A_553 = arith.constant 8 : i32
        %mul3A_554 = arith.muli %scan3A_268, %mul3A_553 : i32
        %add3A_555 = arith.constant 0 : i32
        %add3A_556 = arith.addi %mul3A_554, %add3A_555 : i32
        %add3A_557 = arith.constant 8 : i32
        %add3A_558 = arith.addi %add3A_556, %add3A_557 : i32
        %mul3A_559 = arith.constant 64 : i32
        %mul3A_560 = arith.muli %add3A, %mul3A_559 : i32
        %add3A_561 = arith.addi %mul3A_560, %add3A_556 : i32
        %dma_wait3A_562 = arith.constant 0 : i32
        %dma_wait3A_563 = arith.constant 0 : i32
        %dma_wait3A_564 = arith.constant 0 : i32
        %dma_wait3A_565 = tpu.memref_slice %arg6[%dma_wait3A_562, %dma_wait3A_563, %dma_wait3A_564] : memref<8x100x128xf32, #tpu.memory_space<vmem>> -> memref<1x100x128xf32, #tpu.memory_space<vmem>>
        %dma_wait3A_566 = tpu.memref_squeeze %dma_wait3A_565 : memref<1x100x128xf32, #tpu.memory_space<vmem>> -> memref<100x128xf32, #tpu.memory_space<vmem>>
        %dma_wait3A_567 = arith.constant 0 : i32
        %dma_wait3A_568 = arith.constant 0 : i32
        %dma_wait3A_569 = tpu.memref_slice %arg4[%add3A_561, %dma_wait3A_567, %dma_wait3A_568] : memref<2048x100x128xf32, #tpu.memory_space<hbm>> -> memref<1x100x128xf32, #tpu.memory_space<hbm>>
        %dma_wait3A_570 = tpu.memref_squeeze %dma_wait3A_569 : memref<1x100x128xf32, #tpu.memory_space<hbm>> -> memref<100x128xf32, #tpu.memory_space<hbm>>
        %dma_wait3A_571 = arith.constant 0 : i32
        %dma_wait3A_572 = arith.constant 0 : i32
        %dma_wait3A_573 = tpu.memref_slice %arg4[%add3A_561, %dma_wait3A_571, %dma_wait3A_572] : memref<2048x100x128xf32, #tpu.memory_space<hbm>> -> memref<1x100x128xf32, #tpu.memory_space<hbm>>
        %dma_wait3A_574 = tpu.memref_squeeze %dma_wait3A_573 : memref<1x100x128xf32, #tpu.memory_space<hbm>> -> memref<100x128xf32, #tpu.memory_space<hbm>>
        %dma_wait3A_575 = arith.constant 0 : i32
        %dma_wait3A_576 = arith.constant 0 : i32
        %dma_wait3A_577 = tpu.memref_slice %arg6[%dma_wait3A_562, %dma_wait3A_575, %dma_wait3A_576] : memref<8x100x128xf32, #tpu.memory_space<vmem>> -> memref<1x100x128xf32, #tpu.memory_space<vmem>>
        %dma_wait3A_578 = tpu.memref_squeeze %dma_wait3A_577 : memref<1x100x128xf32, #tpu.memory_space<vmem>> -> memref<100x128xf32, #tpu.memory_space<vmem>>
        tpu.wait_dma2 semaphore(%arg15 : memref<!tpu.dma_semaphore, #tpu.memory_space<semaphore_mem>>) src(%dma_wait3A_578 : memref<100x128xf32, #tpu.memory_space<vmem>>) dst(%dma_wait3A_574 : memref<100x128xf32, #tpu.memory_space<hbm>>)
        %dma_start3A_579 = arith.constant 0 : i32
        %dma_start3A_580 = arith.constant 0 : i32
        %dma_start3A_581 = arith.constant 0 : i32
        %dma_start3A_582 = tpu.memref_slice %arg6[%dma_start3A_579, %dma_start3A_580, %dma_start3A_581] : memref<8x100x128xf32, #tpu.memory_space<vmem>> -> memref<1x100x128xf32, #tpu.memory_space<vmem>>
        %dma_start3A_583 = tpu.memref_squeeze %dma_start3A_582 : memref<1x100x128xf32, #tpu.memory_space<vmem>> -> memref<100x128xf32, #tpu.memory_space<vmem>>
        %dma_start3A_584 = arith.constant 0 : i32
        %dma_start3A_585 = tpu.memref_slice %arg5[%add3A_558, %dma_start3A_584] : memref<64x100xi32, #tpu.memory_space<vmem>> -> memref<1x100xi32, #tpu.memory_space<vmem>>
        %dma_start3A_586 = tpu.memref_squeeze %dma_start3A_585 : memref<1x100xi32, #tpu.memory_space<vmem>> -> memref<100xi32, #tpu.memory_space<vmem>>
        %dma_start3A_587 = arith.constant 0 : i32
        %dma_start3A_588 = arith.constant 0 : i32
        %dma_start3A_589 = tpu.memref_slice %arg3[%dma_start3A_587, %dma_start3A_588] : memref<100000x128xf32, #tpu.memory_space<hbm>> -> memref<100000x128xf32, #tpu.memory_space<hbm>>
        tpu.enqueue_indirect_dma source(%dma_start3A_589 : memref<100000x128xf32, #tpu.memory_space<hbm>>) target(%dma_start3A_583 : memref<100x128xf32, #tpu.memory_space<vmem>>) offsets(%dma_start3A_586 : memref<100xi32, #tpu.memory_space<vmem>>) semaphore(%arg7 : memref<!tpu.dma_semaphore, #tpu.memory_space<semaphore_mem>>)
        %mul3A_590 = arith.constant 8 : i32
        %mul3A_591 = arith.muli %scan3A_268, %mul3A_590 : i32
        %add3A_592 = arith.constant 1 : i32
        %add3A_593 = arith.addi %mul3A_591, %add3A_592 : i32
        %add3A_594 = arith.constant 8 : i32
        %add3A_595 = arith.addi %add3A_593, %add3A_594 : i32
        %mul3A_596 = arith.constant 64 : i32
        %mul3A_597 = arith.muli %add3A, %mul3A_596 : i32
        %add3A_598 = arith.addi %mul3A_597, %add3A_593 : i32
        %dma_wait3A_599 = arith.constant 1 : i32
        %dma_wait3A_600 = arith.constant 0 : i32
        %dma_wait3A_601 = arith.constant 0 : i32
        %dma_wait3A_602 = tpu.memref_slice %arg6[%dma_wait3A_599, %dma_wait3A_600, %dma_wait3A_601] : memref<8x100x128xf32, #tpu.memory_space<vmem>> -> memref<1x100x128xf32, #tpu.memory_space<vmem>>
        %dma_wait3A_603 = tpu.memref_squeeze %dma_wait3A_602 : memref<1x100x128xf32, #tpu.memory_space<vmem>> -> memref<100x128xf32, #tpu.memory_space<vmem>>
        %dma_wait3A_604 = arith.constant 0 : i32
        %dma_wait3A_605 = arith.constant 0 : i32
        %dma_wait3A_606 = tpu.memref_slice %arg4[%add3A_598, %dma_wait3A_604, %dma_wait3A_605] : memref<2048x100x128xf32, #tpu.memory_space<hbm>> -> memref<1x100x128xf32, #tpu.memory_space<hbm>>
        %dma_wait3A_607 = tpu.memref_squeeze %dma_wait3A_606 : memref<1x100x128xf32, #tpu.memory_space<hbm>> -> memref<100x128xf32, #tpu.memory_space<hbm>>
        %dma_wait3A_608 = arith.constant 0 : i32
        %dma_wait3A_609 = arith.constant 0 : i32
        %dma_wait3A_610 = tpu.memref_slice %arg4[%add3A_598, %dma_wait3A_608, %dma_wait3A_609] : memref<2048x100x128xf32, #tpu.memory_space<hbm>> -> memref<1x100x128xf32, #tpu.memory_space<hbm>>
        %dma_wait3A_611 = tpu.memref_squeeze %dma_wait3A_610 : memref<1x100x128xf32, #tpu.memory_space<hbm>> -> memref<100x128xf32, #tpu.memory_space<hbm>>
        %dma_wait3A_612 = arith.constant 0 : i32
        %dma_wait3A_613 = arith.constant 0 : i32
        %dma_wait3A_614 = tpu.memref_slice %arg6[%dma_wait3A_599, %dma_wait3A_612, %dma_wait3A_613] : memref<8x100x128xf32, #tpu.memory_space<vmem>> -> memref<1x100x128xf32, #tpu.memory_space<vmem>>
        %dma_wait3A_615 = tpu.memref_squeeze %dma_wait3A_614 : memref<1x100x128xf32, #tpu.memory_space<vmem>> -> memref<100x128xf32, #tpu.memory_space<vmem>>
        tpu.wait_dma2 semaphore(%arg16 : memref<!tpu.dma_semaphore, #tpu.memory_space<semaphore_mem>>) src(%dma_wait3A_615 : memref<100x128xf32, #tpu.memory_space<vmem>>) dst(%dma_wait3A_611 : memref<100x128xf32, #tpu.memory_space<hbm>>)
        %dma_start3A_616 = arith.constant 1 : i32
        %dma_start3A_617 = arith.constant 0 : i32
        %dma_start3A_618 = arith.constant 0 : i32
        %dma_start3A_619 = tpu.memref_slice %arg6[%dma_start3A_616, %dma_start3A_617, %dma_start3A_618] : memref<8x100x128xf32, #tpu.memory_space<vmem>> -> memref<1x100x128xf32, #tpu.memory_space<vmem>>
        %dma_start3A_620 = tpu.memref_squeeze %dma_start3A_619 : memref<1x100x128xf32, #tpu.memory_space<vmem>> -> memref<100x128xf32, #tpu.memory_space<vmem>>
        %dma_start3A_621 = arith.constant 0 : i32
        %dma_start3A_622 = tpu.memref_slice %arg5[%add3A_595, %dma_start3A_621] : memref<64x100xi32, #tpu.memory_space<vmem>> -> memref<1x100xi32, #tpu.memory_space<vmem>>
        %dma_start3A_623 = tpu.memref_squeeze %dma_start3A_622 : memref<1x100xi32, #tpu.memory_space<vmem>> -> memref<100xi32, #tpu.memory_space<vmem>>
        %dma_start3A_624 = arith.constant 0 : i32
        %dma_start3A_625 = arith.constant 0 : i32
        %dma_start3A_626 = tpu.memref_slice %arg3[%dma_start3A_624, %dma_start3A_625] : memref<100000x128xf32, #tpu.memory_space<hbm>> -> memref<100000x128xf32, #tpu.memory_space<hbm>>
        tpu.enqueue_indirect_dma source(%dma_start3A_626 : memref<100000x128xf32, #tpu.memory_space<hbm>>) target(%dma_start3A_620 : memref<100x128xf32, #tpu.memory_space<vmem>>) offsets(%dma_start3A_623 : memref<100xi32, #tpu.memory_space<vmem>>) semaphore(%arg8 : memref<!tpu.dma_semaphore, #tpu.memory_space<semaphore_mem>>)
        %mul3A_627 = arith.constant 8 : i32
        %mul3A_628 = arith.muli %scan3A_268, %mul3A_627 : i32
        %add3A_629 = arith.constant 2 : i32
        %add3A_630 = arith.addi %mul3A_628, %add3A_629 : i32
        %add3A_631 = arith.constant 8 : i32
        %add3A_632 = arith.addi %add3A_630, %add3A_631 : i32
        %mul3A_633 = arith.constant 64 : i32
        %mul3A_634 = arith.muli %add3A, %mul3A_633 : i32
        %add3A_635 = arith.addi %mul3A_634, %add3A_630 : i32
        %dma_wait3A_636 = arith.constant 2 : i32
        %dma_wait3A_637 = arith.constant 0 : i32
        %dma_wait3A_638 = arith.constant 0 : i32
        %dma_wait3A_639 = tpu.memref_slice %arg6[%dma_wait3A_636, %dma_wait3A_637, %dma_wait3A_638] : memref<8x100x128xf32, #tpu.memory_space<vmem>> -> memref<1x100x128xf32, #tpu.memory_space<vmem>>
        %dma_wait3A_640 = tpu.memref_squeeze %dma_wait3A_639 : memref<1x100x128xf32, #tpu.memory_space<vmem>> -> memref<100x128xf32, #tpu.memory_space<vmem>>
        %dma_wait3A_641 = arith.constant 0 : i32
        %dma_wait3A_642 = arith.constant 0 : i32
        %dma_wait3A_643 = tpu.memref_slice %arg4[%add3A_635, %dma_wait3A_641, %dma_wait3A_642] : memref<2048x100x128xf32, #tpu.memory_space<hbm>> -> memref<1x100x128xf32, #tpu.memory_space<hbm>>
        %dma_wait3A_644 = tpu.memref_squeeze %dma_wait3A_643 : memref<1x100x128xf32, #tpu.memory_space<hbm>> -> memref<100x128xf32, #tpu.memory_space<hbm>>
        %dma_wait3A_645 = arith.constant 0 : i32
        %dma_wait3A_646 = arith.constant 0 : i32
        %dma_wait3A_647 = tpu.memref_slice %arg4[%add3A_635, %dma_wait3A_645, %dma_wait3A_646] : memref<2048x100x128xf32, #tpu.memory_space<hbm>> -> memref<1x100x128xf32, #tpu.memory_space<hbm>>
        %dma_wait3A_648 = tpu.memref_squeeze %dma_wait3A_647 : memref<1x100x128xf32, #tpu.memory_space<hbm>> -> memref<100x128xf32, #tpu.memory_space<hbm>>
        %dma_wait3A_649 = arith.constant 0 : i32
        %dma_wait3A_650 = arith.constant 0 : i32
        %dma_wait3A_651 = tpu.memref_slice %arg6[%dma_wait3A_636, %dma_wait3A_649, %dma_wait3A_650] : memref<8x100x128xf32, #tpu.memory_space<vmem>> -> memref<1x100x128xf32, #tpu.memory_space<vmem>>
        %dma_wait3A_652 = tpu.memref_squeeze %dma_wait3A_651 : memref<1x100x128xf32, #tpu.memory_space<vmem>> -> memref<100x128xf32, #tpu.memory_space<vmem>>
        tpu.wait_dma2 semaphore(%arg17 : memref<!tpu.dma_semaphore, #tpu.memory_space<semaphore_mem>>) src(%dma_wait3A_652 : memref<100x128xf32, #tpu.memory_space<vmem>>) dst(%dma_wait3A_648 : memref<100x128xf32, #tpu.memory_space<hbm>>)
        %dma_start3A_653 = arith.constant 2 : i32
        %dma_start3A_654 = arith.constant 0 : i32
        %dma_start3A_655 = arith.constant 0 : i32
        %dma_start3A_656 = tpu.memref_slice %arg6[%dma_start3A_653, %dma_start3A_654, %dma_start3A_655] : memref<8x100x128xf32, #tpu.memory_space<vmem>> -> memref<1x100x128xf32, #tpu.memory_space<vmem>>
        %dma_start3A_657 = tpu.memref_squeeze %dma_start3A_656 : memref<1x100x128xf32, #tpu.memory_space<vmem>> -> memref<100x128xf32, #tpu.memory_space<vmem>>
        %dma_start3A_658 = arith.constant 0 : i32
        %dma_start3A_659 = tpu.memref_slice %arg5[%add3A_632, %dma_start3A_658] : memref<64x100xi32, #tpu.memory_space<vmem>> -> memref<1x100xi32, #tpu.memory_space<vmem>>
        %dma_start3A_660 = tpu.memref_squeeze %dma_start3A_659 : memref<1x100xi32, #tpu.memory_space<vmem>> -> memref<100xi32, #tpu.memory_space<vmem>>
        %dma_start3A_661 = arith.constant 0 : i32
        %dma_start3A_662 = arith.constant 0 : i32
        %dma_start3A_663 = tpu.memref_slice %arg3[%dma_start3A_661, %dma_start3A_662] : memref<100000x128xf32, #tpu.memory_space<hbm>> -> memref<100000x128xf32, #tpu.memory_space<hbm>>
        tpu.enqueue_indirect_dma source(%dma_start3A_663 : memref<100000x128xf32, #tpu.memory_space<hbm>>) target(%dma_start3A_657 : memref<100x128xf32, #tpu.memory_space<vmem>>) offsets(%dma_start3A_660 : memref<100xi32, #tpu.memory_space<vmem>>) semaphore(%arg9 : memref<!tpu.dma_semaphore, #tpu.memory_space<semaphore_mem>>)
        %mul3A_664 = arith.constant 8 : i32
        %mul3A_665 = arith.muli %scan3A_268, %mul3A_664 : i32
        %add3A_666 = arith.constant 3 : i32
        %add3A_667 = arith.addi %mul3A_665, %add3A_666 : i32
        %add3A_668 = arith.constant 8 : i32
        %add3A_669 = arith.addi %add3A_667, %add3A_668 : i32
        %mul3A_670 = arith.constant 64 : i32
        %mul3A_671 = arith.muli %add3A, %mul3A_670 : i32
        %add3A_672 = arith.addi %mul3A_671, %add3A_667 : i32
        %dma_wait3A_673 = arith.constant 3 : i32
        %dma_wait3A_674 = arith.constant 0 : i32
        %dma_wait3A_675 = arith.constant 0 : i32
        %dma_wait3A_676 = tpu.memref_slice %arg6[%dma_wait3A_673, %dma_wait3A_674, %dma_wait3A_675] : memref<8x100x128xf32, #tpu.memory_space<vmem>> -> memref<1x100x128xf32, #tpu.memory_space<vmem>>
        %dma_wait3A_677 = tpu.memref_squeeze %dma_wait3A_676 : memref<1x100x128xf32, #tpu.memory_space<vmem>> -> memref<100x128xf32, #tpu.memory_space<vmem>>
        %dma_wait3A_678 = arith.constant 0 : i32
        %dma_wait3A_679 = arith.constant 0 : i32
        %dma_wait3A_680 = tpu.memref_slice %arg4[%add3A_672, %dma_wait3A_678, %dma_wait3A_679] : memref<2048x100x128xf32, #tpu.memory_space<hbm>> -> memref<1x100x128xf32, #tpu.memory_space<hbm>>
        %dma_wait3A_681 = tpu.memref_squeeze %dma_wait3A_680 : memref<1x100x128xf32, #tpu.memory_space<hbm>> -> memref<100x128xf32, #tpu.memory_space<hbm>>
        %dma_wait3A_682 = arith.constant 0 : i32
        %dma_wait3A_683 = arith.constant 0 : i32
        %dma_wait3A_684 = tpu.memref_slice %arg4[%add3A_672, %dma_wait3A_682, %dma_wait3A_683] : memref<2048x100x128xf32, #tpu.memory_space<hbm>> -> memref<1x100x128xf32, #tpu.memory_space<hbm>>
        %dma_wait3A_685 = tpu.memref_squeeze %dma_wait3A_684 : memref<1x100x128xf32, #tpu.memory_space<hbm>> -> memref<100x128xf32, #tpu.memory_space<hbm>>
        %dma_wait3A_686 = arith.constant 0 : i32
        %dma_wait3A_687 = arith.constant 0 : i32
        %dma_wait3A_688 = tpu.memref_slice %arg6[%dma_wait3A_673, %dma_wait3A_686, %dma_wait3A_687] : memref<8x100x128xf32, #tpu.memory_space<vmem>> -> memref<1x100x128xf32, #tpu.memory_space<vmem>>
        %dma_wait3A_689 = tpu.memref_squeeze %dma_wait3A_688 : memref<1x100x128xf32, #tpu.memory_space<vmem>> -> memref<100x128xf32, #tpu.memory_space<vmem>>
        tpu.wait_dma2 semaphore(%arg18 : memref<!tpu.dma_semaphore, #tpu.memory_space<semaphore_mem>>) src(%dma_wait3A_689 : memref<100x128xf32, #tpu.memory_space<vmem>>) dst(%dma_wait3A_685 : memref<100x128xf32, #tpu.memory_space<hbm>>)
        %dma_start3A_690 = arith.constant 3 : i32
        %dma_start3A_691 = arith.constant 0 : i32
        %dma_start3A_692 = arith.constant 0 : i32
        %dma_start3A_693 = tpu.memref_slice %arg6[%dma_start3A_690, %dma_start3A_691, %dma_start3A_692] : memref<8x100x128xf32, #tpu.memory_space<vmem>> -> memref<1x100x128xf32, #tpu.memory_space<vmem>>
        %dma_start3A_694 = tpu.memref_squeeze %dma_start3A_693 : memref<1x100x128xf32, #tpu.memory_space<vmem>> -> memref<100x128xf32, #tpu.memory_space<vmem>>
        %dma_start3A_695 = arith.constant 0 : i32
        %dma_start3A_696 = tpu.memref_slice %arg5[%add3A_669, %dma_start3A_695] : memref<64x100xi32, #tpu.memory_space<vmem>> -> memref<1x100xi32, #tpu.memory_space<vmem>>
        %dma_start3A_697 = tpu.memref_squeeze %dma_start3A_696 : memref<1x100xi32, #tpu.memory_space<vmem>> -> memref<100xi32, #tpu.memory_space<vmem>>
        %dma_start3A_698 = arith.constant 0 : i32
        %dma_start3A_699 = arith.constant 0 : i32
        %dma_start3A_700 = tpu.memref_slice %arg3[%dma_start3A_698, %dma_start3A_699] : memref<100000x128xf32, #tpu.memory_space<hbm>> -> memref<100000x128xf32, #tpu.memory_space<hbm>>
        tpu.enqueue_indirect_dma source(%dma_start3A_700 : memref<100000x128xf32, #tpu.memory_space<hbm>>) target(%dma_start3A_694 : memref<100x128xf32, #tpu.memory_space<vmem>>) offsets(%dma_start3A_697 : memref<100xi32, #tpu.memory_space<vmem>>) semaphore(%arg10 : memref<!tpu.dma_semaphore, #tpu.memory_space<semaphore_mem>>)
        %mul3A_701 = arith.constant 8 : i32
        %mul3A_702 = arith.muli %scan3A_268, %mul3A_701 : i32
        %add3A_703 = arith.constant 4 : i32
        %add3A_704 = arith.addi %mul3A_702, %add3A_703 : i32
        %add3A_705 = arith.constant 8 : i32
        %add3A_706 = arith.addi %add3A_704, %add3A_705 : i32
        %mul3A_707 = arith.constant 64 : i32
        %mul3A_708 = arith.muli %add3A, %mul3A_707 : i32
        %add3A_709 = arith.addi %mul3A_708, %add3A_704 : i32
        %dma_wait3A_710 = arith.constant 4 : i32
        %dma_wait3A_711 = arith.constant 0 : i32
        %dma_wait3A_712 = arith.constant 0 : i32
        %dma_wait3A_713 = tpu.memref_slice %arg6[%dma_wait3A_710, %dma_wait3A_711, %dma_wait3A_712] : memref<8x100x128xf32, #tpu.memory_space<vmem>> -> memref<1x100x128xf32, #tpu.memory_space<vmem>>
        %dma_wait3A_714 = tpu.memref_squeeze %dma_wait3A_713 : memref<1x100x128xf32, #tpu.memory_space<vmem>> -> memref<100x128xf32, #tpu.memory_space<vmem>>
        %dma_wait3A_715 = arith.constant 0 : i32
        %dma_wait3A_716 = arith.constant 0 : i32
        %dma_wait3A_717 = tpu.memref_slice %arg4[%add3A_709, %dma_wait3A_715, %dma_wait3A_716] : memref<2048x100x128xf32, #tpu.memory_space<hbm>> -> memref<1x100x128xf32, #tpu.memory_space<hbm>>
        %dma_wait3A_718 = tpu.memref_squeeze %dma_wait3A_717 : memref<1x100x128xf32, #tpu.memory_space<hbm>> -> memref<100x128xf32, #tpu.memory_space<hbm>>
        %dma_wait3A_719 = arith.constant 0 : i32
        %dma_wait3A_720 = arith.constant 0 : i32
        %dma_wait3A_721 = tpu.memref_slice %arg4[%add3A_709, %dma_wait3A_719, %dma_wait3A_720] : memref<2048x100x128xf32, #tpu.memory_space<hbm>> -> memref<1x100x128xf32, #tpu.memory_space<hbm>>
        %dma_wait3A_722 = tpu.memref_squeeze %dma_wait3A_721 : memref<1x100x128xf32, #tpu.memory_space<hbm>> -> memref<100x128xf32, #tpu.memory_space<hbm>>
        %dma_wait3A_723 = arith.constant 0 : i32
        %dma_wait3A_724 = arith.constant 0 : i32
        %dma_wait3A_725 = tpu.memref_slice %arg6[%dma_wait3A_710, %dma_wait3A_723, %dma_wait3A_724] : memref<8x100x128xf32, #tpu.memory_space<vmem>> -> memref<1x100x128xf32, #tpu.memory_space<vmem>>
        %dma_wait3A_726 = tpu.memref_squeeze %dma_wait3A_725 : memref<1x100x128xf32, #tpu.memory_space<vmem>> -> memref<100x128xf32, #tpu.memory_space<vmem>>
        tpu.wait_dma2 semaphore(%arg19 : memref<!tpu.dma_semaphore, #tpu.memory_space<semaphore_mem>>) src(%dma_wait3A_726 : memref<100x128xf32, #tpu.memory_space<vmem>>) dst(%dma_wait3A_722 : memref<100x128xf32, #tpu.memory_space<hbm>>)
        %dma_start3A_727 = arith.constant 4 : i32
        %dma_start3A_728 = arith.constant 0 : i32
        %dma_start3A_729 = arith.constant 0 : i32
        %dma_start3A_730 = tpu.memref_slice %arg6[%dma_start3A_727, %dma_start3A_728, %dma_start3A_729] : memref<8x100x128xf32, #tpu.memory_space<vmem>> -> memref<1x100x128xf32, #tpu.memory_space<vmem>>
        %dma_start3A_731 = tpu.memref_squeeze %dma_start3A_730 : memref<1x100x128xf32, #tpu.memory_space<vmem>> -> memref<100x128xf32, #tpu.memory_space<vmem>>
        %dma_start3A_732 = arith.constant 0 : i32
        %dma_start3A_733 = tpu.memref_slice %arg5[%add3A_706, %dma_start3A_732] : memref<64x100xi32, #tpu.memory_space<vmem>> -> memref<1x100xi32, #tpu.memory_space<vmem>>
        %dma_start3A_734 = tpu.memref_squeeze %dma_start3A_733 : memref<1x100xi32, #tpu.memory_space<vmem>> -> memref<100xi32, #tpu.memory_space<vmem>>
        %dma_start3A_735 = arith.constant 0 : i32
        %dma_start3A_736 = arith.constant 0 : i32
        %dma_start3A_737 = tpu.memref_slice %arg3[%dma_start3A_735, %dma_start3A_736] : memref<100000x128xf32, #tpu.memory_space<hbm>> -> memref<100000x128xf32, #tpu.memory_space<hbm>>
        tpu.enqueue_indirect_dma source(%dma_start3A_737 : memref<100000x128xf32, #tpu.memory_space<hbm>>) target(%dma_start3A_731 : memref<100x128xf32, #tpu.memory_space<vmem>>) offsets(%dma_start3A_734 : memref<100xi32, #tpu.memory_space<vmem>>) semaphore(%arg11 : memref<!tpu.dma_semaphore, #tpu.memory_space<semaphore_mem>>)
        %mul3A_738 = arith.constant 8 : i32
        %mul3A_739 = arith.muli %scan3A_268, %mul3A_738 : i32
        %add3A_740 = arith.constant 5 : i32
        %add3A_741 = arith.addi %mul3A_739, %add3A_740 : i32
        %add3A_742 = arith.constant 8 : i32
        %add3A_743 = arith.addi %add3A_741, %add3A_742 : i32
        %mul3A_744 = arith.constant 64 : i32
        %mul3A_745 = arith.muli %add3A, %mul3A_744 : i32
        %add3A_746 = arith.addi %mul3A_745, %add3A_741 : i32
        %dma_wait3A_747 = arith.constant 5 : i32
        %dma_wait3A_748 = arith.constant 0 : i32
        %dma_wait3A_749 = arith.constant 0 : i32
        %dma_wait3A_750 = tpu.memref_slice %arg6[%dma_wait3A_747, %dma_wait3A_748, %dma_wait3A_749] : memref<8x100x128xf32, #tpu.memory_space<vmem>> -> memref<1x100x128xf32, #tpu.memory_space<vmem>>
        %dma_wait3A_751 = tpu.memref_squeeze %dma_wait3A_750 : memref<1x100x128xf32, #tpu.memory_space<vmem>> -> memref<100x128xf32, #tpu.memory_space<vmem>>
        %dma_wait3A_752 = arith.constant 0 : i32
        %dma_wait3A_753 = arith.constant 0 : i32
        %dma_wait3A_754 = tpu.memref_slice %arg4[%add3A_746, %dma_wait3A_752, %dma_wait3A_753] : memref<2048x100x128xf32, #tpu.memory_space<hbm>> -> memref<1x100x128xf32, #tpu.memory_space<hbm>>
        %dma_wait3A_755 = tpu.memref_squeeze %dma_wait3A_754 : memref<1x100x128xf32, #tpu.memory_space<hbm>> -> memref<100x128xf32, #tpu.memory_space<hbm>>
        %dma_wait3A_756 = arith.constant 0 : i32
        %dma_wait3A_757 = arith.constant 0 : i32
        %dma_wait3A_758 = tpu.memref_slice %arg4[%add3A_746, %dma_wait3A_756, %dma_wait3A_757] : memref<2048x100x128xf32, #tpu.memory_space<hbm>> -> memref<1x100x128xf32, #tpu.memory_space<hbm>>
        %dma_wait3A_759 = tpu.memref_squeeze %dma_wait3A_758 : memref<1x100x128xf32, #tpu.memory_space<hbm>> -> memref<100x128xf32, #tpu.memory_space<hbm>>
        %dma_wait3A_760 = arith.constant 0 : i32
        %dma_wait3A_761 = arith.constant 0 : i32
        %dma_wait3A_762 = tpu.memref_slice %arg6[%dma_wait3A_747, %dma_wait3A_760, %dma_wait3A_761] : memref<8x100x128xf32, #tpu.memory_space<vmem>> -> memref<1x100x128xf32, #tpu.memory_space<vmem>>
        %dma_wait3A_763 = tpu.memref_squeeze %dma_wait3A_762 : memref<1x100x128xf32, #tpu.memory_space<vmem>> -> memref<100x128xf32, #tpu.memory_space<vmem>>
        tpu.wait_dma2 semaphore(%arg20 : memref<!tpu.dma_semaphore, #tpu.memory_space<semaphore_mem>>) src(%dma_wait3A_763 : memref<100x128xf32, #tpu.memory_space<vmem>>) dst(%dma_wait3A_759 : memref<100x128xf32, #tpu.memory_space<hbm>>)
        %dma_start3A_764 = arith.constant 5 : i32
        %dma_start3A_765 = arith.constant 0 : i32
        %dma_start3A_766 = arith.constant 0 : i32
        %dma_start3A_767 = tpu.memref_slice %arg6[%dma_start3A_764, %dma_start3A_765, %dma_start3A_766] : memref<8x100x128xf32, #tpu.memory_space<vmem>> -> memref<1x100x128xf32, #tpu.memory_space<vmem>>
        %dma_start3A_768 = tpu.memref_squeeze %dma_start3A_767 : memref<1x100x128xf32, #tpu.memory_space<vmem>> -> memref<100x128xf32, #tpu.memory_space<vmem>>
        %dma_start3A_769 = arith.constant 0 : i32
        %dma_start3A_770 = tpu.memref_slice %arg5[%add3A_743, %dma_start3A_769] : memref<64x100xi32, #tpu.memory_space<vmem>> -> memref<1x100xi32, #tpu.memory_space<vmem>>
        %dma_start3A_771 = tpu.memref_squeeze %dma_start3A_770 : memref<1x100xi32, #tpu.memory_space<vmem>> -> memref<100xi32, #tpu.memory_space<vmem>>
        %dma_start3A_772 = arith.constant 0 : i32
        %dma_start3A_773 = arith.constant 0 : i32
        %dma_start3A_774 = tpu.memref_slice %arg3[%dma_start3A_772, %dma_start3A_773] : memref<100000x128xf32, #tpu.memory_space<hbm>> -> memref<100000x128xf32, #tpu.memory_space<hbm>>
        tpu.enqueue_indirect_dma source(%dma_start3A_774 : memref<100000x128xf32, #tpu.memory_space<hbm>>) target(%dma_start3A_768 : memref<100x128xf32, #tpu.memory_space<vmem>>) offsets(%dma_start3A_771 : memref<100xi32, #tpu.memory_space<vmem>>) semaphore(%arg12 : memref<!tpu.dma_semaphore, #tpu.memory_space<semaphore_mem>>)
        %mul3A_775 = arith.constant 8 : i32
        %mul3A_776 = arith.muli %scan3A_268, %mul3A_775 : i32
        %add3A_777 = arith.constant 6 : i32
        %add3A_778 = arith.addi %mul3A_776, %add3A_777 : i32
        %add3A_779 = arith.constant 8 : i32
        %add3A_780 = arith.addi %add3A_778, %add3A_779 : i32
        %mul3A_781 = arith.constant 64 : i32
        %mul3A_782 = arith.muli %add3A, %mul3A_781 : i32
        %add3A_783 = arith.addi %mul3A_782, %add3A_778 : i32
        %dma_wait3A_784 = arith.constant 6 : i32
        %dma_wait3A_785 = arith.constant 0 : i32
        %dma_wait3A_786 = arith.constant 0 : i32
        %dma_wait3A_787 = tpu.memref_slice %arg6[%dma_wait3A_784, %dma_wait3A_785, %dma_wait3A_786] : memref<8x100x128xf32, #tpu.memory_space<vmem>> -> memref<1x100x128xf32, #tpu.memory_space<vmem>>
        %dma_wait3A_788 = tpu.memref_squeeze %dma_wait3A_787 : memref<1x100x128xf32, #tpu.memory_space<vmem>> -> memref<100x128xf32, #tpu.memory_space<vmem>>
        %dma_wait3A_789 = arith.constant 0 : i32
        %dma_wait3A_790 = arith.constant 0 : i32
        %dma_wait3A_791 = tpu.memref_slice %arg4[%add3A_783, %dma_wait3A_789, %dma_wait3A_790] : memref<2048x100x128xf32, #tpu.memory_space<hbm>> -> memref<1x100x128xf32, #tpu.memory_space<hbm>>
        %dma_wait3A_792 = tpu.memref_squeeze %dma_wait3A_791 : memref<1x100x128xf32, #tpu.memory_space<hbm>> -> memref<100x128xf32, #tpu.memory_space<hbm>>
        %dma_wait3A_793 = arith.constant 0 : i32
        %dma_wait3A_794 = arith.constant 0 : i32
        %dma_wait3A_795 = tpu.memref_slice %arg4[%add3A_783, %dma_wait3A_793, %dma_wait3A_794] : memref<2048x100x128xf32, #tpu.memory_space<hbm>> -> memref<1x100x128xf32, #tpu.memory_space<hbm>>
        %dma_wait3A_796 = tpu.memref_squeeze %dma_wait3A_795 : memref<1x100x128xf32, #tpu.memory_space<hbm>> -> memref<100x128xf32, #tpu.memory_space<hbm>>
        %dma_wait3A_797 = arith.constant 0 : i32
        %dma_wait3A_798 = arith.constant 0 : i32
        %dma_wait3A_799 = tpu.memref_slice %arg6[%dma_wait3A_784, %dma_wait3A_797, %dma_wait3A_798] : memref<8x100x128xf32, #tpu.memory_space<vmem>> -> memref<1x100x128xf32, #tpu.memory_space<vmem>>
        %dma_wait3A_800 = tpu.memref_squeeze %dma_wait3A_799 : memref<1x100x128xf32, #tpu.memory_space<vmem>> -> memref<100x128xf32, #tpu.memory_space<vmem>>
        tpu.wait_dma2 semaphore(%arg21 : memref<!tpu.dma_semaphore, #tpu.memory_space<semaphore_mem>>) src(%dma_wait3A_800 : memref<100x128xf32, #tpu.memory_space<vmem>>) dst(%dma_wait3A_796 : memref<100x128xf32, #tpu.memory_space<hbm>>)
        %dma_start3A_801 = arith.constant 6 : i32
        %dma_start3A_802 = arith.constant 0 : i32
        %dma_start3A_803 = arith.constant 0 : i32
        %dma_start3A_804 = tpu.memref_slice %arg6[%dma_start3A_801, %dma_start3A_802, %dma_start3A_803] : memref<8x100x128xf32, #tpu.memory_space<vmem>> -> memref<1x100x128xf32, #tpu.memory_space<vmem>>
        %dma_start3A_805 = tpu.memref_squeeze %dma_start3A_804 : memref<1x100x128xf32, #tpu.memory_space<vmem>> -> memref<100x128xf32, #tpu.memory_space<vmem>>
        %dma_start3A_806 = arith.constant 0 : i32
        %dma_start3A_807 = tpu.memref_slice %arg5[%add3A_780, %dma_start3A_806] : memref<64x100xi32, #tpu.memory_space<vmem>> -> memref<1x100xi32, #tpu.memory_space<vmem>>
        %dma_start3A_808 = tpu.memref_squeeze %dma_start3A_807 : memref<1x100xi32, #tpu.memory_space<vmem>> -> memref<100xi32, #tpu.memory_space<vmem>>
        %dma_start3A_809 = arith.constant 0 : i32
        %dma_start3A_810 = arith.constant 0 : i32
        %dma_start3A_811 = tpu.memref_slice %arg3[%dma_start3A_809, %dma_start3A_810] : memref<100000x128xf32, #tpu.memory_space<hbm>> -> memref<100000x128xf32, #tpu.memory_space<hbm>>
        tpu.enqueue_indirect_dma source(%dma_start3A_811 : memref<100000x128xf32, #tpu.memory_space<hbm>>) target(%dma_start3A_805 : memref<100x128xf32, #tpu.memory_space<vmem>>) offsets(%dma_start3A_808 : memref<100xi32, #tpu.memory_space<vmem>>) semaphore(%arg13 : memref<!tpu.dma_semaphore, #tpu.memory_space<semaphore_mem>>)
        %mul3A_812 = arith.constant 8 : i32
        %mul3A_813 = arith.muli %scan3A_268, %mul3A_812 : i32
        %add3A_814 = arith.constant 7 : i32
        %add3A_815 = arith.addi %mul3A_813, %add3A_814 : i32
        %add3A_816 = arith.constant 8 : i32
        %add3A_817 = arith.addi %add3A_815, %add3A_816 : i32
        %mul3A_818 = arith.constant 64 : i32
        %mul3A_819 = arith.muli %add3A, %mul3A_818 : i32
        %add3A_820 = arith.addi %mul3A_819, %add3A_815 : i32
        %dma_wait3A_821 = arith.constant 7 : i32
        %dma_wait3A_822 = arith.constant 0 : i32
        %dma_wait3A_823 = arith.constant 0 : i32
        %dma_wait3A_824 = tpu.memref_slice %arg6[%dma_wait3A_821, %dma_wait3A_822, %dma_wait3A_823] : memref<8x100x128xf32, #tpu.memory_space<vmem>> -> memref<1x100x128xf32, #tpu.memory_space<vmem>>
        %dma_wait3A_825 = tpu.memref_squeeze %dma_wait3A_824 : memref<1x100x128xf32, #tpu.memory_space<vmem>> -> memref<100x128xf32, #tpu.memory_space<vmem>>
        %dma_wait3A_826 = arith.constant 0 : i32
        %dma_wait3A_827 = arith.constant 0 : i32
        %dma_wait3A_828 = tpu.memref_slice %arg4[%add3A_820, %dma_wait3A_826, %dma_wait3A_827] : memref<2048x100x128xf32, #tpu.memory_space<hbm>> -> memref<1x100x128xf32, #tpu.memory_space<hbm>>
        %dma_wait3A_829 = tpu.memref_squeeze %dma_wait3A_828 : memref<1x100x128xf32, #tpu.memory_space<hbm>> -> memref<100x128xf32, #tpu.memory_space<hbm>>
        %dma_wait3A_830 = arith.constant 0 : i32
        %dma_wait3A_831 = arith.constant 0 : i32
        %dma_wait3A_832 = tpu.memref_slice %arg4[%add3A_820, %dma_wait3A_830, %dma_wait3A_831] : memref<2048x100x128xf32, #tpu.memory_space<hbm>> -> memref<1x100x128xf32, #tpu.memory_space<hbm>>
        %dma_wait3A_833 = tpu.memref_squeeze %dma_wait3A_832 : memref<1x100x128xf32, #tpu.memory_space<hbm>> -> memref<100x128xf32, #tpu.memory_space<hbm>>
        %dma_wait3A_834 = arith.constant 0 : i32
        %dma_wait3A_835 = arith.constant 0 : i32
        %dma_wait3A_836 = tpu.memref_slice %arg6[%dma_wait3A_821, %dma_wait3A_834, %dma_wait3A_835] : memref<8x100x128xf32, #tpu.memory_space<vmem>> -> memref<1x100x128xf32, #tpu.memory_space<vmem>>
        %dma_wait3A_837 = tpu.memref_squeeze %dma_wait3A_836 : memref<1x100x128xf32, #tpu.memory_space<vmem>> -> memref<100x128xf32, #tpu.memory_space<vmem>>
        tpu.wait_dma2 semaphore(%arg22 : memref<!tpu.dma_semaphore, #tpu.memory_space<semaphore_mem>>) src(%dma_wait3A_837 : memref<100x128xf32, #tpu.memory_space<vmem>>) dst(%dma_wait3A_833 : memref<100x128xf32, #tpu.memory_space<hbm>>)
        %dma_start3A_838 = arith.constant 7 : i32
        %dma_start3A_839 = arith.constant 0 : i32
        %dma_start3A_840 = arith.constant 0 : i32
        %dma_start3A_841 = tpu.memref_slice %arg6[%dma_start3A_838, %dma_start3A_839, %dma_start3A_840] : memref<8x100x128xf32, #tpu.memory_space<vmem>> -> memref<1x100x128xf32, #tpu.memory_space<vmem>>
        %dma_start3A_842 = tpu.memref_squeeze %dma_start3A_841 : memref<1x100x128xf32, #tpu.memory_space<vmem>> -> memref<100x128xf32, #tpu.memory_space<vmem>>
        %dma_start3A_843 = arith.constant 0 : i32
        %dma_start3A_844 = tpu.memref_slice %arg5[%add3A_817, %dma_start3A_843] : memref<64x100xi32, #tpu.memory_space<vmem>> -> memref<1x100xi32, #tpu.memory_space<vmem>>
        %dma_start3A_845 = tpu.memref_squeeze %dma_start3A_844 : memref<1x100xi32, #tpu.memory_space<vmem>> -> memref<100xi32, #tpu.memory_space<vmem>>
        %dma_start3A_846 = arith.constant 0 : i32
        %dma_start3A_847 = arith.constant 0 : i32
        %dma_start3A_848 = tpu.memref_slice %arg3[%dma_start3A_846, %dma_start3A_847] : memref<100000x128xf32, #tpu.memory_space<hbm>> -> memref<100000x128xf32, #tpu.memory_space<hbm>>
        tpu.enqueue_indirect_dma source(%dma_start3A_848 : memref<100000x128xf32, #tpu.memory_space<hbm>>) target(%dma_start3A_842 : memref<100x128xf32, #tpu.memory_space<vmem>>) offsets(%dma_start3A_845 : memref<100xi32, #tpu.memory_space<vmem>>) semaphore(%arg14 : memref<!tpu.dma_semaphore, #tpu.memory_space<semaphore_mem>>)
      } else {
      }
    }
    %scan3A_100 = arith.constant 8 : i32
    %mul3A_101 = arith.constant 64 : i32
    %mul3A_102 = arith.muli %add3A, %mul3A_101 : i32
    %add3A_103 = arith.constant 56 : i32
    %add3A_104 = arith.addi %mul3A_102, %add3A_103 : i32
    %dma_wait3A = arith.constant 0 : i32
    %dma_wait3A_105 = arith.constant 0 : i32
    %dma_wait3A_106 = arith.constant 0 : i32
    %dma_wait3A_107 = tpu.memref_slice %arg6[%dma_wait3A, %dma_wait3A_105, %dma_wait3A_106] : memref<8x100x128xf32, #tpu.memory_space<vmem>> -> memref<1x100x128xf32, #tpu.memory_space<vmem>>
    %dma_wait3A_108 = tpu.memref_squeeze %dma_wait3A_107 : memref<1x100x128xf32, #tpu.memory_space<vmem>> -> memref<100x128xf32, #tpu.memory_space<vmem>>
    %dma_wait3A_109 = arith.constant 0 : i32
    %dma_wait3A_110 = arith.constant 0 : i32
    %dma_wait3A_111 = tpu.memref_slice %arg4[%add3A_104, %dma_wait3A_109, %dma_wait3A_110] : memref<2048x100x128xf32, #tpu.memory_space<hbm>> -> memref<1x100x128xf32, #tpu.memory_space<hbm>>
    %dma_wait3A_112 = tpu.memref_squeeze %dma_wait3A_111 : memref<1x100x128xf32, #tpu.memory_space<hbm>> -> memref<100x128xf32, #tpu.memory_space<hbm>>
    %dma_wait3A_113 = arith.constant 0 : i32
    %dma_wait3A_114 = arith.constant 0 : i32
    %dma_wait3A_115 = tpu.memref_slice %arg4[%add3A_104, %dma_wait3A_113, %dma_wait3A_114] : memref<2048x100x128xf32, #tpu.memory_space<hbm>> -> memref<1x100x128xf32, #tpu.memory_space<hbm>>
    %dma_wait3A_116 = tpu.memref_squeeze %dma_wait3A_115 : memref<1x100x128xf32, #tpu.memory_space<hbm>> -> memref<100x128xf32, #tpu.memory_space<hbm>>
    %dma_wait3A_117 = arith.constant 0 : i32
    %dma_wait3A_118 = arith.constant 0 : i32
    %dma_wait3A_119 = tpu.memref_slice %arg6[%dma_wait3A, %dma_wait3A_117, %dma_wait3A_118] : memref<8x100x128xf32, #tpu.memory_space<vmem>> -> memref<1x100x128xf32, #tpu.memory_space<vmem>>
    %dma_wait3A_120 = tpu.memref_squeeze %dma_wait3A_119 : memref<1x100x128xf32, #tpu.memory_space<vmem>> -> memref<100x128xf32, #tpu.memory_space<vmem>>
    tpu.wait_dma2 semaphore(%arg15 : memref<!tpu.dma_semaphore, #tpu.memory_space<semaphore_mem>>) src(%dma_wait3A_120 : memref<100x128xf32, #tpu.memory_space<vmem>>) dst(%dma_wait3A_116 : memref<100x128xf32, #tpu.memory_space<hbm>>)
    %mul3A_121 = arith.constant 64 : i32
    %mul3A_122 = arith.muli %add3A, %mul3A_121 : i32
    %add3A_123 = arith.constant 57 : i32
    %add3A_124 = arith.addi %mul3A_122, %add3A_123 : i32
    %dma_wait3A_125 = arith.constant 1 : i32
    %dma_wait3A_126 = arith.constant 0 : i32
    %dma_wait3A_127 = arith.constant 0 : i32
    %dma_wait3A_128 = tpu.memref_slice %arg6[%dma_wait3A_125, %dma_wait3A_126, %dma_wait3A_127] : memref<8x100x128xf32, #tpu.memory_space<vmem>> -> memref<1x100x128xf32, #tpu.memory_space<vmem>>
    %dma_wait3A_129 = tpu.memref_squeeze %dma_wait3A_128 : memref<1x100x128xf32, #tpu.memory_space<vmem>> -> memref<100x128xf32, #tpu.memory_space<vmem>>
    %dma_wait3A_130 = arith.constant 0 : i32
    %dma_wait3A_131 = arith.constant 0 : i32
    %dma_wait3A_132 = tpu.memref_slice %arg4[%add3A_124, %dma_wait3A_130, %dma_wait3A_131] : memref<2048x100x128xf32, #tpu.memory_space<hbm>> -> memref<1x100x128xf32, #tpu.memory_space<hbm>>
    %dma_wait3A_133 = tpu.memref_squeeze %dma_wait3A_132 : memref<1x100x128xf32, #tpu.memory_space<hbm>> -> memref<100x128xf32, #tpu.memory_space<hbm>>
    %dma_wait3A_134 = arith.constant 0 : i32
    %dma_wait3A_135 = arith.constant 0 : i32
    %dma_wait3A_136 = tpu.memref_slice %arg4[%add3A_124, %dma_wait3A_134, %dma_wait3A_135] : memref<2048x100x128xf32, #tpu.memory_space<hbm>> -> memref<1x100x128xf32, #tpu.memory_space<hbm>>
    %dma_wait3A_137 = tpu.memref_squeeze %dma_wait3A_136 : memref<1x100x128xf32, #tpu.memory_space<hbm>> -> memref<100x128xf32, #tpu.memory_space<hbm>>
    %dma_wait3A_138 = arith.constant 0 : i32
    %dma_wait3A_139 = arith.constant 0 : i32
    %dma_wait3A_140 = tpu.memref_slice %arg6[%dma_wait3A_125, %dma_wait3A_138, %dma_wait3A_139] : memref<8x100x128xf32, #tpu.memory_space<vmem>> -> memref<1x100x128xf32, #tpu.memory_space<vmem>>
    %dma_wait3A_141 = tpu.memref_squeeze %dma_wait3A_140 : memref<1x100x128xf32, #tpu.memory_space<vmem>> -> memref<100x128xf32, #tpu.memory_space<vmem>>
    tpu.wait_dma2 semaphore(%arg16 : memref<!tpu.dma_semaphore, #tpu.memory_space<semaphore_mem>>) src(%dma_wait3A_141 : memref<100x128xf32, #tpu.memory_space<vmem>>) dst(%dma_wait3A_137 : memref<100x128xf32, #tpu.memory_space<hbm>>)
    %mul3A_142 = arith.constant 64 : i32
    %mul3A_143 = arith.muli %add3A, %mul3A_142 : i32
    %add3A_144 = arith.constant 58 : i32
    %add3A_145 = arith.addi %mul3A_143, %add3A_144 : i32
    %dma_wait3A_146 = arith.constant 2 : i32
    %dma_wait3A_147 = arith.constant 0 : i32
    %dma_wait3A_148 = arith.constant 0 : i32
    %dma_wait3A_149 = tpu.memref_slice %arg6[%dma_wait3A_146, %dma_wait3A_147, %dma_wait3A_148] : memref<8x100x128xf32, #tpu.memory_space<vmem>> -> memref<1x100x128xf32, #tpu.memory_space<vmem>>
    %dma_wait3A_150 = tpu.memref_squeeze %dma_wait3A_149 : memref<1x100x128xf32, #tpu.memory_space<vmem>> -> memref<100x128xf32, #tpu.memory_space<vmem>>
    %dma_wait3A_151 = arith.constant 0 : i32
    %dma_wait3A_152 = arith.constant 0 : i32
    %dma_wait3A_153 = tpu.memref_slice %arg4[%add3A_145, %dma_wait3A_151, %dma_wait3A_152] : memref<2048x100x128xf32, #tpu.memory_space<hbm>> -> memref<1x100x128xf32, #tpu.memory_space<hbm>>
    %dma_wait3A_154 = tpu.memref_squeeze %dma_wait3A_153 : memref<1x100x128xf32, #tpu.memory_space<hbm>> -> memref<100x128xf32, #tpu.memory_space<hbm>>
    %dma_wait3A_155 = arith.constant 0 : i32
    %dma_wait3A_156 = arith.constant 0 : i32
    %dma_wait3A_157 = tpu.memref_slice %arg4[%add3A_145, %dma_wait3A_155, %dma_wait3A_156] : memref<2048x100x128xf32, #tpu.memory_space<hbm>> -> memref<1x100x128xf32, #tpu.memory_space<hbm>>
    %dma_wait3A_158 = tpu.memref_squeeze %dma_wait3A_157 : memref<1x100x128xf32, #tpu.memory_space<hbm>> -> memref<100x128xf32, #tpu.memory_space<hbm>>
    %dma_wait3A_159 = arith.constant 0 : i32
    %dma_wait3A_160 = arith.constant 0 : i32
    %dma_wait3A_161 = tpu.memref_slice %arg6[%dma_wait3A_146, %dma_wait3A_159, %dma_wait3A_160] : memref<8x100x128xf32, #tpu.memory_space<vmem>> -> memref<1x100x128xf32, #tpu.memory_space<vmem>>
    %dma_wait3A_162 = tpu.memref_squeeze %dma_wait3A_161 : memref<1x100x128xf32, #tpu.memory_space<vmem>> -> memref<100x128xf32, #tpu.memory_space<vmem>>
    tpu.wait_dma2 semaphore(%arg17 : memref<!tpu.dma_semaphore, #tpu.memory_space<semaphore_mem>>) src(%dma_wait3A_162 : memref<100x128xf32, #tpu.memory_space<vmem>>) dst(%dma_wait3A_158 : memref<100x128xf32, #tpu.memory_space<hbm>>)
    %mul3A_163 = arith.constant 64 : i32
    %mul3A_164 = arith.muli %add3A, %mul3A_163 : i32
    %add3A_165 = arith.constant 59 : i32
    %add3A_166 = arith.addi %mul3A_164, %add3A_165 : i32
    %dma_wait3A_167 = arith.constant 3 : i32
    %dma_wait3A_168 = arith.constant 0 : i32
    %dma_wait3A_169 = arith.constant 0 : i32
    %dma_wait3A_170 = tpu.memref_slice %arg6[%dma_wait3A_167, %dma_wait3A_168, %dma_wait3A_169] : memref<8x100x128xf32, #tpu.memory_space<vmem>> -> memref<1x100x128xf32, #tpu.memory_space<vmem>>
    %dma_wait3A_171 = tpu.memref_squeeze %dma_wait3A_170 : memref<1x100x128xf32, #tpu.memory_space<vmem>> -> memref<100x128xf32, #tpu.memory_space<vmem>>
    %dma_wait3A_172 = arith.constant 0 : i32
    %dma_wait3A_173 = arith.constant 0 : i32
    %dma_wait3A_174 = tpu.memref_slice %arg4[%add3A_166, %dma_wait3A_172, %dma_wait3A_173] : memref<2048x100x128xf32, #tpu.memory_space<hbm>> -> memref<1x100x128xf32, #tpu.memory_space<hbm>>
    %dma_wait3A_175 = tpu.memref_squeeze %dma_wait3A_174 : memref<1x100x128xf32, #tpu.memory_space<hbm>> -> memref<100x128xf32, #tpu.memory_space<hbm>>
    %dma_wait3A_176 = arith.constant 0 : i32
    %dma_wait3A_177 = arith.constant 0 : i32
    %dma_wait3A_178 = tpu.memref_slice %arg4[%add3A_166, %dma_wait3A_176, %dma_wait3A_177] : memref<2048x100x128xf32, #tpu.memory_space<hbm>> -> memref<1x100x128xf32, #tpu.memory_space<hbm>>
    %dma_wait3A_179 = tpu.memref_squeeze %dma_wait3A_178 : memref<1x100x128xf32, #tpu.memory_space<hbm>> -> memref<100x128xf32, #tpu.memory_space<hbm>>
    %dma_wait3A_180 = arith.constant 0 : i32
    %dma_wait3A_181 = arith.constant 0 : i32
    %dma_wait3A_182 = tpu.memref_slice %arg6[%dma_wait3A_167, %dma_wait3A_180, %dma_wait3A_181] : memref<8x100x128xf32, #tpu.memory_space<vmem>> -> memref<1x100x128xf32, #tpu.memory_space<vmem>>
    %dma_wait3A_183 = tpu.memref_squeeze %dma_wait3A_182 : memref<1x100x128xf32, #tpu.memory_space<vmem>> -> memref<100x128xf32, #tpu.memory_space<vmem>>
    tpu.wait_dma2 semaphore(%arg18 : memref<!tpu.dma_semaphore, #tpu.memory_space<semaphore_mem>>) src(%dma_wait3A_183 : memref<100x128xf32, #tpu.memory_space<vmem>>) dst(%dma_wait3A_179 : memref<100x128xf32, #tpu.memory_space<hbm>>)
    %mul3A_184 = arith.constant 64 : i32
    %mul3A_185 = arith.muli %add3A, %mul3A_184 : i32
    %add3A_186 = arith.constant 60 : i32
    %add3A_187 = arith.addi %mul3A_185, %add3A_186 : i32
    %dma_wait3A_188 = arith.constant 4 : i32
    %dma_wait3A_189 = arith.constant 0 : i32
    %dma_wait3A_190 = arith.constant 0 : i32
    %dma_wait3A_191 = tpu.memref_slice %arg6[%dma_wait3A_188, %dma_wait3A_189, %dma_wait3A_190] : memref<8x100x128xf32, #tpu.memory_space<vmem>> -> memref<1x100x128xf32, #tpu.memory_space<vmem>>
    %dma_wait3A_192 = tpu.memref_squeeze %dma_wait3A_191 : memref<1x100x128xf32, #tpu.memory_space<vmem>> -> memref<100x128xf32, #tpu.memory_space<vmem>>
    %dma_wait3A_193 = arith.constant 0 : i32
    %dma_wait3A_194 = arith.constant 0 : i32
    %dma_wait3A_195 = tpu.memref_slice %arg4[%add3A_187, %dma_wait3A_193, %dma_wait3A_194] : memref<2048x100x128xf32, #tpu.memory_space<hbm>> -> memref<1x100x128xf32, #tpu.memory_space<hbm>>
    %dma_wait3A_196 = tpu.memref_squeeze %dma_wait3A_195 : memref<1x100x128xf32, #tpu.memory_space<hbm>> -> memref<100x128xf32, #tpu.memory_space<hbm>>
    %dma_wait3A_197 = arith.constant 0 : i32
    %dma_wait3A_198 = arith.constant 0 : i32
    %dma_wait3A_199 = tpu.memref_slice %arg4[%add3A_187, %dma_wait3A_197, %dma_wait3A_198] : memref<2048x100x128xf32, #tpu.memory_space<hbm>> -> memref<1x100x128xf32, #tpu.memory_space<hbm>>
    %dma_wait3A_200 = tpu.memref_squeeze %dma_wait3A_199 : memref<1x100x128xf32, #tpu.memory_space<hbm>> -> memref<100x128xf32, #tpu.memory_space<hbm>>
    %dma_wait3A_201 = arith.constant 0 : i32
    %dma_wait3A_202 = arith.constant 0 : i32
    %dma_wait3A_203 = tpu.memref_slice %arg6[%dma_wait3A_188, %dma_wait3A_201, %dma_wait3A_202] : memref<8x100x128xf32, #tpu.memory_space<vmem>> -> memref<1x100x128xf32, #tpu.memory_space<vmem>>
    %dma_wait3A_204 = tpu.memref_squeeze %dma_wait3A_203 : memref<1x100x128xf32, #tpu.memory_space<vmem>> -> memref<100x128xf32, #tpu.memory_space<vmem>>
    tpu.wait_dma2 semaphore(%arg19 : memref<!tpu.dma_semaphore, #tpu.memory_space<semaphore_mem>>) src(%dma_wait3A_204 : memref<100x128xf32, #tpu.memory_space<vmem>>) dst(%dma_wait3A_200 : memref<100x128xf32, #tpu.memory_space<hbm>>)
    %mul3A_205 = arith.constant 64 : i32
    %mul3A_206 = arith.muli %add3A, %mul3A_205 : i32
    %add3A_207 = arith.constant 61 : i32
    %add3A_208 = arith.addi %mul3A_206, %add3A_207 : i32
    %dma_wait3A_209 = arith.constant 5 : i32
    %dma_wait3A_210 = arith.constant 0 : i32
    %dma_wait3A_211 = arith.constant 0 : i32
    %dma_wait3A_212 = tpu.memref_slice %arg6[%dma_wait3A_209, %dma_wait3A_210, %dma_wait3A_211] : memref<8x100x128xf32, #tpu.memory_space<vmem>> -> memref<1x100x128xf32, #tpu.memory_space<vmem>>
    %dma_wait3A_213 = tpu.memref_squeeze %dma_wait3A_212 : memref<1x100x128xf32, #tpu.memory_space<vmem>> -> memref<100x128xf32, #tpu.memory_space<vmem>>
    %dma_wait3A_214 = arith.constant 0 : i32
    %dma_wait3A_215 = arith.constant 0 : i32
    %dma_wait3A_216 = tpu.memref_slice %arg4[%add3A_208, %dma_wait3A_214, %dma_wait3A_215] : memref<2048x100x128xf32, #tpu.memory_space<hbm>> -> memref<1x100x128xf32, #tpu.memory_space<hbm>>
    %dma_wait3A_217 = tpu.memref_squeeze %dma_wait3A_216 : memref<1x100x128xf32, #tpu.memory_space<hbm>> -> memref<100x128xf32, #tpu.memory_space<hbm>>
    %dma_wait3A_218 = arith.constant 0 : i32
    %dma_wait3A_219 = arith.constant 0 : i32
    %dma_wait3A_220 = tpu.memref_slice %arg4[%add3A_208, %dma_wait3A_218, %dma_wait3A_219] : memref<2048x100x128xf32, #tpu.memory_space<hbm>> -> memref<1x100x128xf32, #tpu.memory_space<hbm>>
    %dma_wait3A_221 = tpu.memref_squeeze %dma_wait3A_220 : memref<1x100x128xf32, #tpu.memory_space<hbm>> -> memref<100x128xf32, #tpu.memory_space<hbm>>
    %dma_wait3A_222 = arith.constant 0 : i32
    %dma_wait3A_223 = arith.constant 0 : i32
    %dma_wait3A_224 = tpu.memref_slice %arg6[%dma_wait3A_209, %dma_wait3A_222, %dma_wait3A_223] : memref<8x100x128xf32, #tpu.memory_space<vmem>> -> memref<1x100x128xf32, #tpu.memory_space<vmem>>
    %dma_wait3A_225 = tpu.memref_squeeze %dma_wait3A_224 : memref<1x100x128xf32, #tpu.memory_space<vmem>> -> memref<100x128xf32, #tpu.memory_space<vmem>>
    tpu.wait_dma2 semaphore(%arg20 : memref<!tpu.dma_semaphore, #tpu.memory_space<semaphore_mem>>) src(%dma_wait3A_225 : memref<100x128xf32, #tpu.memory_space<vmem>>) dst(%dma_wait3A_221 : memref<100x128xf32, #tpu.memory_space<hbm>>)
    %mul3A_226 = arith.constant 64 : i32
    %mul3A_227 = arith.muli %add3A, %mul3A_226 : i32
    %add3A_228 = arith.constant 62 : i32
    %add3A_229 = arith.addi %mul3A_227, %add3A_228 : i32
    %dma_wait3A_230 = arith.constant 6 : i32
    %dma_wait3A_231 = arith.constant 0 : i32
    %dma_wait3A_232 = arith.constant 0 : i32
    %dma_wait3A_233 = tpu.memref_slice %arg6[%dma_wait3A_230, %dma_wait3A_231, %dma_wait3A_232] : memref<8x100x128xf32, #tpu.memory_space<vmem>> -> memref<1x100x128xf32, #tpu.memory_space<vmem>>
    %dma_wait3A_234 = tpu.memref_squeeze %dma_wait3A_233 : memref<1x100x128xf32, #tpu.memory_space<vmem>> -> memref<100x128xf32, #tpu.memory_space<vmem>>
    %dma_wait3A_235 = arith.constant 0 : i32
    %dma_wait3A_236 = arith.constant 0 : i32
    %dma_wait3A_237 = tpu.memref_slice %arg4[%add3A_229, %dma_wait3A_235, %dma_wait3A_236] : memref<2048x100x128xf32, #tpu.memory_space<hbm>> -> memref<1x100x128xf32, #tpu.memory_space<hbm>>
    %dma_wait3A_238 = tpu.memref_squeeze %dma_wait3A_237 : memref<1x100x128xf32, #tpu.memory_space<hbm>> -> memref<100x128xf32, #tpu.memory_space<hbm>>
    %dma_wait3A_239 = arith.constant 0 : i32
    %dma_wait3A_240 = arith.constant 0 : i32
    %dma_wait3A_241 = tpu.memref_slice %arg4[%add3A_229, %dma_wait3A_239, %dma_wait3A_240] : memref<2048x100x128xf32, #tpu.memory_space<hbm>> -> memref<1x100x128xf32, #tpu.memory_space<hbm>>
    %dma_wait3A_242 = tpu.memref_squeeze %dma_wait3A_241 : memref<1x100x128xf32, #tpu.memory_space<hbm>> -> memref<100x128xf32, #tpu.memory_space<hbm>>
    %dma_wait3A_243 = arith.constant 0 : i32
    %dma_wait3A_244 = arith.constant 0 : i32
    %dma_wait3A_245 = tpu.memref_slice %arg6[%dma_wait3A_230, %dma_wait3A_243, %dma_wait3A_244] : memref<8x100x128xf32, #tpu.memory_space<vmem>> -> memref<1x100x128xf32, #tpu.memory_space<vmem>>
    %dma_wait3A_246 = tpu.memref_squeeze %dma_wait3A_245 : memref<1x100x128xf32, #tpu.memory_space<vmem>> -> memref<100x128xf32, #tpu.memory_space<vmem>>
    tpu.wait_dma2 semaphore(%arg21 : memref<!tpu.dma_semaphore, #tpu.memory_space<semaphore_mem>>) src(%dma_wait3A_246 : memref<100x128xf32, #tpu.memory_space<vmem>>) dst(%dma_wait3A_242 : memref<100x128xf32, #tpu.memory_space<hbm>>)
    %mul3A_247 = arith.constant 64 : i32
    %mul3A_248 = arith.muli %add3A, %mul3A_247 : i32
    %add3A_249 = arith.constant 63 : i32
    %add3A_250 = arith.addi %mul3A_248, %add3A_249 : i32
    %dma_wait3A_251 = arith.constant 7 : i32
    %dma_wait3A_252 = arith.constant 0 : i32
    %dma_wait3A_253 = arith.constant 0 : i32
    %dma_wait3A_254 = tpu.memref_slice %arg6[%dma_wait3A_251, %dma_wait3A_252, %dma_wait3A_253] : memref<8x100x128xf32, #tpu.memory_space<vmem>> -> memref<1x100x128xf32, #tpu.memory_space<vmem>>
    %dma_wait3A_255 = tpu.memref_squeeze %dma_wait3A_254 : memref<1x100x128xf32, #tpu.memory_space<vmem>> -> memref<100x128xf32, #tpu.memory_space<vmem>>
    %dma_wait3A_256 = arith.constant 0 : i32
    %dma_wait3A_257 = arith.constant 0 : i32
    %dma_wait3A_258 = tpu.memref_slice %arg4[%add3A_250, %dma_wait3A_256, %dma_wait3A_257] : memref<2048x100x128xf32, #tpu.memory_space<hbm>> -> memref<1x100x128xf32, #tpu.memory_space<hbm>>
    %dma_wait3A_259 = tpu.memref_squeeze %dma_wait3A_258 : memref<1x100x128xf32, #tpu.memory_space<hbm>> -> memref<100x128xf32, #tpu.memory_space<hbm>>
    %dma_wait3A_260 = arith.constant 0 : i32
    %dma_wait3A_261 = arith.constant 0 : i32
    %dma_wait3A_262 = tpu.memref_slice %arg4[%add3A_250, %dma_wait3A_260, %dma_wait3A_261] : memref<2048x100x128xf32, #tpu.memory_space<hbm>> -> memref<1x100x128xf32, #tpu.memory_space<hbm>>
    %dma_wait3A_263 = tpu.memref_squeeze %dma_wait3A_262 : memref<1x100x128xf32, #tpu.memory_space<hbm>> -> memref<100x128xf32, #tpu.memory_space<hbm>>
    %dma_wait3A_264 = arith.constant 0 : i32
    %dma_wait3A_265 = arith.constant 0 : i32
    %dma_wait3A_266 = tpu.memref_slice %arg6[%dma_wait3A_251, %dma_wait3A_264, %dma_wait3A_265] : memref<8x100x128xf32, #tpu.memory_space<vmem>> -> memref<1x100x128xf32, #tpu.memory_space<vmem>>
    %dma_wait3A_267 = tpu.memref_squeeze %dma_wait3A_266 : memref<1x100x128xf32, #tpu.memory_space<vmem>> -> memref<100x128xf32, #tpu.memory_space<vmem>>
    tpu.wait_dma2 semaphore(%arg22 : memref<!tpu.dma_semaphore, #tpu.memory_space<semaphore_mem>>) src(%dma_wait3A_267 : memref<100x128xf32, #tpu.memory_space<vmem>>) dst(%dma_wait3A_263 : memref<100x128xf32, #tpu.memory_space<hbm>>)
    return
  }
}

</mosaic_0001>

<sc_bundles>
// kernel: kernel.3.cloned.1.call-start
scs
__scs_entry_jumppad:
0x0: {  	(pc) =	sbr.rel $0x88, $3  }
0x1: {  	(tag) =	ssettag $0x0;
	lr =	simm.s32 $0x1  }
0x2: {  	[smem:$0x3F9F] =	sst lr;
	_ =	strace $0xD0000000  }
0x3: {  	_ = 	snop  }
0x4: {  	_ = 	snop  }
0x5: {  	_ = 	snop  }
0x6: {  	_ = 	snop  }
0x7: {  	_ = 	snop  }
__scs_overlays_trampoline_lowered:
0x8: {  	[smem:$0x3FAE] =	sst s0  }
0x9: {  	[smem:$0x3FAF] =	sst s1  }
0xa: {  	[smem:$0x3FB0] =	sst s2  }
0xb: {  	[smem:$0x3FB1] =	sst s3  }
0xc: {  	[smem:$0x3FB2] =	sst s4  }
0xd: {  	[smem:$0x3FB3] =	sst s5  }
0xe: {  	[smem:$0x3FB4] =	sst s6  }
0xf: {  	[smem:$0x3FB5] =	sst s7  }
0x10: {  	[smem:$0x3FB6] =	sst s8  }
0x11: {  	[smem:$0x3FB7] =	sst s9;
	s0 =	simm.s32 @!p0 $0x0  }
0x12: {  	s1 =	sld [smem:$0x3F9D];
	s0 =	simm.s32 @p0 $0x1  }
0x13: {  	[smem:$0x3FB8] =	sst s0;
	s0 =	simm.s32 @!p1 $0x0  }
0x14: {  	s2 =	sld [smem:$0x3F9C];
	s0 =	simm.s32 @p1 $0x1  }
0x15: {  	[smem:$0x3FB9] =	sst s0;
	s0 =	simm.s32 @!p2 $0x0  }
0x16: {  	s3 =	sld [smem:$0x3FDB];
	s0 =	simm.s32 @p2 $0x1  }
0x17: {  	s4 =	simm.s32 $0x1BF5;
	[smem:$0x3FBB] =	sst s0  }
0x18: {  	s0 =	sld [smem:$0x3F9E];
	_ =	swait.ge [sflag:s4], $0x0  }
0x19: {  	s7 =	sld [smem:$0x3F9F]  }
0x1a: {  	s8 =	sadd.s32 $0xFFFFE003, lr  }
0x1b: {  	s9 =	sadd.s32 $0xFFFFFEF7, lr;
	s5 =	simm.s32 $0xFFFFFFFF;
	p2 =	slt.u32 s8, $0xFFFFF086  }
0x1c: {  	p1 =	slt.u32 s9, $0xF7A;
	s5 =	simm.s32 @!p2 $0x0  }
0x1d: {  	s5 =	simm.s32 @p1 $0x1;
	p0 =	seq.s32 s7, s2  }
0x1e: {  	s7 =	smul.u32 @!p0 $0xF7A, s2;
	p2 =	seq.s32 @!p0 s5, $0x0  }
0x1f: {  	s9 =	smul.u32 $0xF7A, s1;
	s8 =	simm.s32 @!p0 $0x1BF5;
	p2 =	por !p2, p0  }
0x20: {  	[sflag:s8] =	ssyncset.s32 @!p0 $0xFFFFF086;
	s6 =	sadd.s32 @!p0 s3, s7;
	s7 =	simm.s32 @!p0 $0x108  }
0x21: {  	s3 =	sadd.s32 s3, s9;
	s6 =	sadd.s32 @!p0 $0x88, s6;
	s7 =	simm.s32 @p2 $0x1082  }
0x22: {  	[simem:s7], [sflag:s8] =	dma.local @!p0 [hbm:s6], $0xF7A  }
0x23: {  	s9 =	sor.u32 $0xD0000000, s2;
	s6 =	simm.s32 $0x108;
	_ =	swait.ge @!p0 [sflag:s8], $0x0  }
0x24: {  	s3 =	sadd.s32 $0x88, s3;
	s6 =	simm.s32 @!p1 $0x1082;
	[sflag:s4] =	ssyncset.s32 $0xFFFFF086  }
0x25: {  	[simem:s6], [sflag:s4] =	dma.local [hbm:s3], $0xF7A  }
0x26: {  	[smem:$0x3F9F] =	sst s1;
	(tag) =	ssettag s2;
	_ =	strace s9  }
0x27: {  	s1 =	sld [smem:$0x3FAF]  }
0x28: {  	s2 =	sld [smem:$0x3FB0]  }
0x29: {  	s4 =	sld [smem:$0x3FB2]  }
0x2a: {  	p0 =	seq.s32 s5, $0x0;
	s5 =	sld [smem:$0x3FB3]  }
0x2b: {  	s6 =	sld [smem:$0x3FB4]  }
0x2c: {  	s7 =	sld [smem:$0x3FB5]  }
0x2d: {  	s3 =	simm.s32 $0x108;
	s8 =	sld [smem:$0x3FB6]  }
0x2e: {  	s3 =	simm.s32 @!p0 $0x1082;
	s9 =	sld [smem:$0x3FB7]  }
0x2f: {  	lr =	sadd.s32 s0, s3;
	s0 =	sld [smem:$0x3FAE]  }
0x30: {  	s3 =	sld [smem:$0x3FB1]  }
0x31: {  	[smem:$0x3FBA] =	sst s10  }
0x32: {  	s10 =	sld [smem:$0x3FB8];
	_ =	sdelay $0x3  }
0x33: {  	p0 =	seq.s32 s10, $0x1;
	s10 =	sld [smem:$0x3FBA];
	_ =	sdelay $0x3  }
0x34: {  	[smem:$0x3FBA] =	sst s10  }
0x35: {  	s10 =	sld [smem:$0x3FB9];
	_ =	sdelay $0x3  }
0x36: {  	p1 =	seq.s32 s10, $0x1;
	s10 =	sld [smem:$0x3FBA];
	_ =	sdelay $0x3  }
0x37: {  	[smem:$0x3FBA] =	sst s10  }
0x38: {  	s10 =	sld [smem:$0x3FBB]  }
0x39: {  	_ = 	snop;
	(pc) =	sbr.ind lr, $3  }
0x3a: {  	_ = 	snop  }
0x3b: {  	_ = 	snop  }
0x3c: {  	p2 =	seq.s32 s10, $0x1;
	s10 =	sld [smem:$0x3FBA]  }
0x3d: {  	_ =	shalt  }
0x3e: {  	_ =	shalt  }
0x3f: {  	_ =	shalt  }
0x40: {  	_ =	shalt  }
0x41: {  	_ =	shalt  }
0x42: {  	_ =	shalt  }
0x43: {  	_ =	shalt  }
0x44: {  	_ =	shalt  }
0x45: {  	_ =	shalt  }
0x46: {  	_ =	shalt  }
0x47: {  	_ =	shalt  }
0x48: {  	_ =	shalt  }
0x49: {  	_ =	shalt  }
0x4a: {  	_ =	shalt  }
0x4b: {  	_ =	shalt  }
0x4c: {  	_ =	shalt  }
0x4d: {  	_ =	shalt  }
0x4e: {  	_ =	shalt  }
0x4f: {  	_ =	shalt  }
0x50: {  	_ =	shalt  }
0x51: {  	_ =	shalt  }
0x52: {  	_ =	shalt  }
0x53: {  	_ =	shalt  }
0x54: {  	_ =	shalt  }
0x55: {  	_ =	shalt  }
0x56: {  	_ =	shalt  }
0x57: {  	_ =	shalt  }
0x58: {  	_ =	shalt  }
0x59: {  	_ =	shalt  }
0x5a: {  	_ =	shalt  }
0x5b: {  	_ =	shalt  }
0x5c: {  	_ =	shalt  }
0x5d: {  	_ =	shalt  }
0x5e: {  	_ =	shalt  }
0x5f: {  	_ =	shalt  }
0x60: {  	_ =	shalt  }
0x61: {  	_ =	shalt  }
0x62: {  	_ =	shalt  }
0x63: {  	_ =	shalt  }
0x64: {  	_ =	shalt  }
0x65: {  	_ =	shalt  }
0x66: {  	_ =	shalt  }
0x67: {  	_ =	shalt  }
0x68: {  	_ =	shalt  }
0x69: {  	_ =	shalt  }
0x6a: {  	_ =	shalt  }
0x6b: {  	_ =	shalt  }
0x6c: {  	_ =	shalt  }
0x6d: {  	_ =	shalt  }
0x6e: {  	_ =	shalt  }
0x6f: {  	_ =	shalt  }
0x70: {  	_ =	shalt  }
0x71: {  	_ =	shalt  }
0x72: {  	_ =	shalt  }
0x73: {  	_ =	shalt  }
0x74: {  	_ =	shalt  }
0x75: {  	_ =	shalt  }
0x76: {  	_ =	shalt  }
0x77: {  	_ =	shalt  }
0x78: {  	_ =	shalt  }
0x79: {  	_ =	shalt  }
0x7a: {  	_ =	shalt  }
0x7b: {  	_ =	shalt  }
0x7c: {  	_ =	shalt  }
0x7d: {  	_ =	shalt  }
0x7e: {  	_ =	shalt  }
0x7f: {  	_ =	shalt  }
0x80: {  	_ =	shalt  }
0x81: {  	_ =	shalt  }
0x82: {  	_ =	shalt  }
0x83: {  	_ =	shalt  }
0x84: {  	_ =	shalt  }
0x85: {  	_ =	shalt  }
0x86: {  	_ =	shalt  }
0x87: {  	_ =	shalt  }
.Lfunc_end0:
.L_simem_size_0:
called_computation_lowered:
.L_overlay_start_0:
0x88: {  	s2 =	sld [smem:$0x3FD9]  }
0x89: {  	s3 =	sld [smem:$0x3FFE];
	_ =	sdelay $0x1  }
0x8a: {  	s1 =	srdreg.scid  }
0x8b: {  	s0 =	sand.u32 $0x1, s1  }
0x8c: {  	s17 =	sshll.u32 s0, $0xA;
	s2 =	sadd.s32 s3, s2  }
0x8d: {  	s2 =	sadd.s32 s2, s17  }
0x8e: {  	[smem:$0x3FC6] =	sst s2  }
0x8f: {  	_ = 	snop  }
0x90: {  	s2 =	sld [smem:$0x3FC8]  }
0x91: {  	s18 =	sld [smem:$0x3FD0];
	(tm) =	ssettm $0x1  }
0x92: {  	s4 =	sld [smem:$0x3FFB];
	_ =	sdelay $0x3  }
0x93: {  	_ =	strace s4  }
0x94: {  	s4 =	sld [smem:$0x3FFC];
	_ =	sdelay $0x3  }
0x95: {  	_ =	strace s4  }
0x96: {  	s4 =	sld [smem:$0x3FFD];
	_ =	sdelay $0x3  }
0x97: {  	_ =	strace s4  }
0x98: {  	_ =	strace $0x8FFFFFFF  }
0x99: {  	s19 =	sld [smem:$0x3FDB];
	_ =	sdelay $0x1  }
0x9a: {  	s5 =	simm.s32 $_scs_section_size  }
0x9b: {  	s6 =	simm.s32 $_size__tile_overlayer_lowered;
	s7 =	simm.s32 $_tile_overlayer_lowered  }
0x9c: {  	s22 =	simm.s32 $0x1BFF;
	s21 =	sshll.u32 s7, $0x1;
	s4 =	sadd.s32 s5, s19  }
0x9d: {  	s8 =	simm.s32 $0x0;
	s20 =	sshll.u32 s6, $0x1;
	s6 =	sadd.s32 s21, s4  }
0x9e: {  	[timem:s8], [sflag:s22] =	dma.local [hbm:s6], s20  }
0x9f: {  	_ =	swait.ge [sflag:s22], s20  }
0xa0: {  	s5 =	ssub.s32 $0x0, s20;
	[sflag:s22] =	ssyncset.done $0x0  }
0xa1: {  	[sflag:s22] =	ssyncadd.s32 s5;
	_ =	sdelay $0x1  }
0xa2: {  	s23 =	simm.s32 $0x1B8B  }
0xa3: {  	_ =	swait.ge [sflag:s23], $0x1  }
0xa4: {  	[sflag:s23] =	ssyncset.done $0x0  }
0xa5: {  	s25 =	simm.s32 $0x1B8E;
	s24 =	sld [smem:$0x3FFE];
	[sflag:s23] =	ssyncadd.s32 $0xFFFFFFFF  }
0xa6: {  	s26 =	simm.s32 $execute0_lowered;
	[smem:$0x3FD2] =	sst s25  }
0xa7: {  	s6 =	sshll.u32 s26, $0x1;
	_ =	strace $0x80000046;
	[dreg:$0x1] =	wrdreg $0xFFFFFFFF  }
0xa8: {  	s28 =	simm.s32 $_size_execute0_lowered;
	s4 =	sadd.s32 s4, s6;
	[dreg:$0x0] =	wrdreg $0x0  }
0xa9: {  	s6 =	sshll.u32 s28, $0x1;
	[dreg:$0x2] =	wrdreg s4  }
0xaa: {  	[dreg:$0x3] =	wrdreg s6  }
0xab: {  	[dreg:$0x4] =	wrdreg $0xC0  }
0xac: {  	_ =	task [dreg:s8], $0x5FFFF  }
0xad: {  	[dreg:$0x1] =	wrdreg $0xFFFFFFFF  }
0xae: {  	[dreg:$0x0] =	wrdreg $0x60  }
0xaf: {  	[dreg:$0x2] =	wrdreg s18  }
0xb0: {  	[dreg:$0x3] =	wrdreg s2  }
0xb1: {  	[dreg:$0x4] =	wrdreg s24  }
0xb2: {  	[dreg:$0x5] =	wrdreg $0x9  }
0xb3: {  	_ =	task.clear_ibuf [dreg:s8], $0x6FFFF;
	_ =	strace $0x90000046  }
0xb4: {  	s29 =	simm.s32 $0x9;
	_ =	strace $0x80000048  }
0xb5: {  	_ =	swait.ge [sflag:s29], $0x1  }
0xb6: {  	[sflag:s29] =	ssyncadd.s32 $0xFFFFFFFF  }
0xb7: {  	_ =	strace $0x90000048  }
0xb8: {  	_ =	sfence  }
0xb9: {  	s30 =	sld [smem:$0x0];
	_ =	sdelay $0x2  }
0xba: {  	s31 =	sshll.u32 s1, $0xD;
	s1 =	sshrl.u32 s1, $0x2  }
0xbb: {  	s3 =	sand.u32 $0x4000, s31;
	s1 =	sadd.s32 s1, s30  }
0xbc: {  	s0 =	sor.u32 s3, s0;
	s1 =	sshll.u32 s1, $0x11  }
0xbd: {  	s0 =	sor.u32 s1, s0  }
0xbe: {  	s0 =	sadd.s32 $0x8F2B, s0  }
0xbf: {  	[sflag:s0] =	ssyncadd.remote.s32 $0x1  }
0xc0: {  	_ =	sfence.sel $0xFFFF  }
0xc1: {  	[dreg:$0x0] =	wrdreg $0xFFFFFFFF;
	(pc) =	sbr.abs _section_cstart, $3  }
0xc2: {  	[dreg:$0x1] =	wrdreg $0xFFFFFFFF  }
0xc3: {  	_ =	task.clear_ibuf [dreg:s8], $0x2FFFF;
	_ =	strace $0x9FFFFFFF  }
0xc4: {  	(tm) =	ssettm $0x7FFFFFFF  }
0xc5: {  	_ =	shalt  }
tec
execute0_lowered:
.L_overlay_start_1:
0x0: {  	(tag) =	ssettag $0x1  }
0x1: {  	s0 =	rddreg [dreg:$0x0]  }
0x2: {  	s1 =	rddreg [dreg:$0x1]  }
0x3: {  	s2 =	rddreg [dreg:$0x2]  }
0x4: {  	s3 =	simm.s32 $0x0;
	s4 =	srdreg.scid;
	s7 =	stileid.u32  }
0x5: {  	s9 =	simm.s32 $0x2000;
	s11 =	simm.s32 $0x5400;
	s13 =	simm.s32 $0x8800  }
0x6: {  	s15 =	simm.s32 $0xBC00;
	s17 =	simm.s32 $0xF000;
	s19 =	simm.s32 $0x12400  }
0x7: {  	s21 =	simm.s32 $0x15800;
	s23 =	simm.s32 $0x18C00;
	s28 =	simm.s32 $0x4  }
0x8: {  	s29 =	simm.s32 $0x5;
	s30 =	simm.s32 $0x6;
	s31 =	simm.s32 $0x7  }
0x9: {  	s14 =	simm.s32 $0xC;
	s16 =	simm.s32 $0xD;
	s18 =	simm.s32 $0xE  }
0xa: {  	s20 =	simm.s32 $0xF;
	s22 =	simm.s32 $0x10;
	[smem:$0x7FF] =	sst s3  }
0xb: {  	s4 =	sand.u32 $0x1, s4;
	s5 =	smul.u32 $0x34000, s7;
	s7 =	sshll.u32 s7, $0xB  }
0xc: {  	_ =	strace $0x80000047;
	s6 =	ssub.s32 $0x2, s4;
	s8 =	sshll.u32 s4, $0xA  }
0xd: {  	s4 =	smul.u32 $0x1A000, s4;
	s2 =	sadd.s32 s5, s2;
	s24 =	sshrl.u32 s6, $0x1  }
0xe: {  	s7 =	sor.u32 s8, s7;
	s8 =	simm.s32 $0x64;
	s5 =	ssub.s32 s6, s24  }
0xf: {  	s0 =	sadd.s32 s0, s7;
	s25 =	sadd.s32 s4, s2;
	s24 =	simm.s32 $0x1  }
0x10: {  	s4 =	simm.s32 $0x0;
	[dreg:$0x4] =	wrdreg s0;
	s26 =	smax.u32 s5, $0x1  }
0x11: {  	s0 =	sadd.s32 $0x400, s25;
	s25 =	simm.s32 $0x2;
	[dreg:$0x5] =	wrdreg s26  }
0x12: {  	[dreg:$0x6] =	wrdreg s0;
	s26 =	simm.s32 $0x3;
	s0 =	simm.s32 $0x8  }
.LBB2_1:
0x13: {  	s2 =	rddreg [dreg:$0x4];
	s7 =	simm.s32 $0x11  }
0x14: {  	[tilespmem:s3], [sflag:$0x11] =	stream.linear.gather [hbm4b:s2+s3], $0x2000, $0x38;
	[tilespmem:$0x1C000] =	vst v63  }
0x15: {  	_ =	swait.ge [sflag:s7], $0x2000  }
0x16: {  	[sflag:s7] =	ssyncset.done $0x0  }
0x17: {  	[sflag:s7] =	ssyncadd.s32 $0xFFFFE000  }
0x18: {  	[tilespmem:s9], [sflag:$0x1] =	stream.indirect.gather [hbm4b:s1+s8], $0x80, s3, s8, $0xb8;
	[tilespmem:$0x1C000] =	vst v63  }
0x19: {  	s10 =	simm.s32 $0x80  }
0x1a: {  	[tilespmem:s11], [sflag:$0x2] =	stream.indirect.gather [hbm4b:s1+s8], $0x80, s10, s8, $0xb8;
	[tilespmem:$0x1C000] =	vst v63  }
0x1b: {  	s12 =	simm.s32 $0x100  }
0x1c: {  	[tilespmem:s13], [sflag:$0x3] =	stream.indirect.gather [hbm4b:s1+s8], $0x80, s12, s8, $0xb8;
	[tilespmem:$0x1C000] =	vst v63  }
0x1d: {  	s5 =	simm.s32 $0x180  }
0x1e: {  	[tilespmem:s15], [sflag:$0x4] =	stream.indirect.gather [hbm4b:s1+s8], $0x80, s5, s8, $0xb8;
	[tilespmem:$0x1C000] =	vst v63  }
0x1f: {  	s6 =	simm.s32 $0x200  }
0x20: {  	[tilespmem:s17], [sflag:$0x5] =	stream.indirect.gather [hbm4b:s1+s8], $0x80, s6, s8, $0xb8;
	[tilespmem:$0x1C000] =	vst v63  }
0x21: {  	s7 =	simm.s32 $0x280  }
0x22: {  	[tilespmem:s19], [sflag:$0x6] =	stream.indirect.gather [hbm4b:s1+s8], $0x80, s7, s8, $0xb8;
	[tilespmem:$0x1C000] =	vst v63  }
0x23: {  	s10 =	simm.s32 $0x300  }
0x24: {  	[tilespmem:s21], [sflag:$0x7] =	stream.indirect.gather [hbm4b:s1+s8], $0x80, s10, s8, $0xb8;
	[tilespmem:$0x1C000] =	vst v63  }
0x25: {  	s12 =	simm.s32 $0x380;
	s5 =	simm.s32 $0x0;
	s6 =	rddreg [dreg:$0x6]  }
0x26: {  	[tilespmem:s23], [sflag:$0x8] =	stream.indirect.gather [hbm4b:s1+s8], $0x80, s12, s8, $0xb8;
	[tilespmem:$0x1C000] =	vst v63  }
.LBB2_2:
0x27: {  	_ =	swait.ge [sflag:s24], $0x3200  }
0x28: {  	[sflag:s24] =	ssyncset.done $0x0  }
0x29: {  	[sflag:s24] =	ssyncadd.s32 $0xFFFFCE00  }
0x2a: {  	[hbm4b:s6+s3] =	stream.linear.scatter [tilespmem:s9], [sflag:$0x9], $0x3200, $0x38;
	[tilespmem:$0x1C000] =	vst v63  }
0x2b: {  	_ =	swait.ge [sflag:s25], $0x3200  }
0x2c: {  	[sflag:s25] =	ssyncset.done $0x0  }
0x2d: {  	s7 =	sadd.s32 $0x680, s6;
	[sflag:s25] =	ssyncadd.s32 $0xFFFFCE00  }
0x2e: {  	[hbm4b:s7+s3] =	stream.linear.scatter [tilespmem:s11], [sflag:$0xA], $0x3200, $0x38;
	[tilespmem:$0x1C000] =	vst v63  }
0x2f: {  	_ =	swait.ge [sflag:s26], $0x3200  }
0x30: {  	[sflag:s26] =	ssyncset.done $0x0  }
0x31: {  	s2 =	sadd.s32 $0xD00, s6;
	[sflag:s26] =	ssyncadd.s32 $0xFFFFCE00  }
0x32: {  	[hbm4b:s2+s3] =	stream.linear.scatter [tilespmem:s13], [sflag:$0xB], $0x3200, $0x38;
	[tilespmem:$0x1C000] =	vst v63  }
0x33: {  	_ =	swait.ge [sflag:s28], $0x3200  }
0x34: {  	[sflag:s28] =	ssyncset.done $0x0  }
0x35: {  	s10 =	sadd.s32 $0x1380, s6;
	[sflag:s28] =	ssyncadd.s32 $0xFFFFCE00  }
0x36: {  	[hbm4b:s10+s3] =	stream.linear.scatter [tilespmem:s15], [sflag:$0xC], $0x3200, $0x38;
	[tilespmem:$0x1C000] =	vst v63  }
0x37: {  	_ =	swait.ge [sflag:s29], $0x3200  }
0x38: {  	[sflag:s29] =	ssyncset.done $0x0  }
0x39: {  	s12 =	sadd.s32 $0x1A00, s6;
	[sflag:s29] =	ssyncadd.s32 $0xFFFFCE00  }
0x3a: {  	[hbm4b:s12+s3] =	stream.linear.scatter [tilespmem:s17], [sflag:$0xD], $0x3200, $0x38;
	[tilespmem:$0x1C000] =	vst v63  }
0x3b: {  	_ =	swait.ge [sflag:s30], $0x3200  }
0x3c: {  	[sflag:s30] =	ssyncset.done $0x0  }
0x3d: {  	s2 =	sadd.s32 $0x2080, s6;
	[sflag:s30] =	ssyncadd.s32 $0xFFFFCE00  }
0x3e: {  	[hbm4b:s2+s3] =	stream.linear.scatter [tilespmem:s19], [sflag:$0xE], $0x3200, $0x38;
	[tilespmem:$0x1C000] =	vst v63  }
0x3f: {  	_ =	swait.ge [sflag:s31], $0x3200  }
0x40: {  	[sflag:s31] =	ssyncset.done $0x0  }
0x41: {  	s10 =	sadd.s32 $0x2700, s6;
	[sflag:s31] =	ssyncadd.s32 $0xFFFFCE00  }
0x42: {  	[hbm4b:s10+s3] =	stream.linear.scatter [tilespmem:s21], [sflag:$0xF], $0x3200, $0x38;
	[tilespmem:$0x1C000] =	vst v63  }
0x43: {  	_ =	swait.ge [sflag:s0], $0x3200  }
0x44: {  	p0 =	seq.s32 s5, $0x7000;
	[sflag:s0] =	ssyncset.done $0x0  }
0x45: {  	s7 =	simm.s32 @!p0 $0x9;
	s12 =	sadd.s32 $0x2D80, s6;
	[sflag:s0] =	ssyncadd.s32 $0xFFFFCE00  }
0x46: {  	[hbm4b:s12+s3] =	stream.linear.scatter [tilespmem:s23], [sflag:$0x10], $0x3200, $0x38;
	[tilespmem:$0x1C000] =	vst v63  }
0x47: {  	_ =	swait.ge @!p0 [sflag:s7], $0x3200  }
0x48: {  	[sflag:s7] =	ssyncset.done @!p0 $0x0  }
0x49: {  	[sflag:s7] =	ssyncadd.s32 @!p0 $0xFFFFCE00;
	s7 =	sshra.s32 @!p0 s5, $0x2  }
0x4a: {  	s10 =	simm.s32 @!p0 $0x64;
	s12 =	simm.s32 @!p0 $0x2000;
	s2 =	sadd.s32 @!p0 $0x400, s7  }
0x4b: {  	[tilespmem:s12], [sflag:$0x1] =	stream.indirect.gather @!p0 [hbm4b:s1+s10], $0x80, s2, s10, $0xb8;
	[tilespmem:$0x1C000] =	vst v63  }
0x4c: {  	s2 =	simm.s32 @!p0 $0xA  }
0x4d: {  	_ =	swait.ge @!p0 [sflag:s2], $0x3200  }
0x4e: {  	[sflag:s2] =	ssyncset.done @!p0 $0x0  }
0x4f: {  	s12 =	simm.s32 @!p0 $0x5400;
	[sflag:s2] =	ssyncadd.s32 @!p0 $0xFFFFCE00;
	s2 =	sadd.s32 @!p0 $0x480, s7  }
0x50: {  	[tilespmem:s12], [sflag:$0x2] =	stream.indirect.gather @!p0 [hbm4b:s1+s10], $0x80, s2, s10, $0xb8;
	[tilespmem:$0x1C000] =	vst v63  }
0x51: {  	s2 =	simm.s32 @!p0 $0xB  }
0x52: {  	_ =	swait.ge @!p0 [sflag:s2], $0x3200  }
0x53: {  	[sflag:s2] =	ssyncset.done @!p0 $0x0  }
0x54: {  	s12 =	simm.s32 @!p0 $0x8800;
	[sflag:s2] =	ssyncadd.s32 @!p0 $0xFFFFCE00;
	s2 =	sadd.s32 @!p0 $0x500, s7  }
0x55: {  	[tilespmem:s12], [sflag:$0x3] =	stream.indirect.gather @!p0 [hbm4b:s1+s10], $0x80, s2, s10, $0xb8;
	[tilespmem:$0x1C000] =	vst v63  }
0x56: {  	s2 =	simm.s32 @!p0 $0xC  }
0x57: {  	_ =	swait.ge @!p0 [sflag:s2], $0x3200  }
0x58: {  	[sflag:s2] =	ssyncset.done @!p0 $0x0  }
0x59: {  	s12 =	simm.s32 @!p0 $0xBC00;
	[sflag:s2] =	ssyncadd.s32 @!p0 $0xFFFFCE00;
	s2 =	sadd.s32 @!p0 $0x580, s7  }
0x5a: {  	[tilespmem:s12], [sflag:$0x4] =	stream.indirect.gather @!p0 [hbm4b:s1+s10], $0x80, s2, s10, $0xb8;
	[tilespmem:$0x1C000] =	vst v63  }
0x5b: {  	s2 =	simm.s32 @!p0 $0xD  }
0x5c: {  	_ =	swait.ge @!p0 [sflag:s2], $0x3200  }
0x5d: {  	[sflag:s2] =	ssyncset.done @!p0 $0x0  }
0x5e: {  	s12 =	simm.s32 @!p0 $0xF000;
	[sflag:s2] =	ssyncadd.s32 @!p0 $0xFFFFCE00;
	s2 =	sadd.s32 @!p0 $0x600, s7  }
0x5f: {  	[tilespmem:s12], [sflag:$0x5] =	stream.indirect.gather @!p0 [hbm4b:s1+s10], $0x80, s2, s10, $0xb8;
	[tilespmem:$0x1C000] =	vst v63  }
0x60: {  	s2 =	simm.s32 @!p0 $0xE  }
0x61: {  	_ =	swait.ge @!p0 [sflag:s2], $0x3200  }
0x62: {  	[sflag:s2] =	ssyncset.done @!p0 $0x0  }
0x63: {  	s12 =	simm.s32 @!p0 $0x12400;
	[sflag:s2] =	ssyncadd.s32 @!p0 $0xFFFFCE00;
	s2 =	sadd.s32 @!p0 $0x680, s7  }
0x64: {  	[tilespmem:s12], [sflag:$0x6] =	stream.indirect.gather @!p0 [hbm4b:s1+s10], $0x80, s2, s10, $0xb8;
	[tilespmem:$0x1C000] =	vst v63  }
0x65: {  	s5 =	sadd.s32 @!p0 $0x1000, s5;
	s2 =	simm.s32 @!p0 $0xF  }
0x66: {  	p1 =	sne.s32 @!p0 s5, $0x8000;
	_ =	swait.ge @!p0 [sflag:s2], $0x3200  }
0x67: {  	p1 =	por p0, !p1;
	[sflag:s2] =	ssyncset.done @!p0 $0x0  }
0x68: {  	s12 =	simm.s32 @!p0 $0x15800;
	[sflag:s2] =	ssyncadd.s32 @!p0 $0xFFFFCE00;
	s2 =	sadd.s32 @!p0 $0x700, s7  }
0x69: {  	[tilespmem:s12], [sflag:$0x7] =	stream.indirect.gather @!p0 [hbm4b:s1+s10], $0x80, s2, s10, $0xb8;
	[tilespmem:$0x1C000] =	vst v63  }
.Ltmp0:
0x6a: {  	s2 =	simm.s32 @!p0 $0x10;
	(pc) =	sbr.rel @!p1 .LBB2_2-.Ltmp0, $4  }
0x6b: {  	_ =	swait.ge @!p0 [sflag:s2], $0x3200  }
0x6c: {  	s6 =	sadd.s32 @!p0 $0x3400, s6;
	[sflag:s2] =	ssyncset.done @!p0 $0x0  }
0x6d: {  	[sflag:s2] =	ssyncadd.s32 @!p0 $0xFFFFCE00;
	s2 =	sadd.s32 @!p0 $0x780, s7;
	s7 =	simm.s32 @!p0 $0x18C00  }
0x6e: {  	[tilespmem:s7], [sflag:$0x8] =	stream.indirect.gather @!p0 [hbm4b:s1+s10], $0x80, s2, s10, $0xb8;
	[tilespmem:$0x1C000] =	vst v63  }
0x6f: {  	s2 =	simm.s32 $0x9  }
0x70: {  	_ =	swait.ge [sflag:s2], $0x3200  }
0x71: {  	[sflag:s2] =	ssyncset.done $0x0  }
0x72: {  	s7 =	simm.s32 $0xA;
	[sflag:s2] =	ssyncadd.s32 $0xFFFFCE00  }
0x73: {  	_ =	swait.ge [sflag:s7], $0x3200  }
0x74: {  	[sflag:s7] =	ssyncset.done $0x0  }
0x75: {  	s10 =	simm.s32 $0xB;
	[sflag:s7] =	ssyncadd.s32 $0xFFFFCE00  }
0x76: {  	_ =	swait.ge [sflag:s10], $0x3200  }
0x77: {  	[sflag:s10] =	ssyncset.done $0x0  }
0x78: {  	[sflag:s10] =	ssyncadd.s32 $0xFFFFCE00  }
0x79: {  	_ =	swait.ge [sflag:s14], $0x3200  }
0x7a: {  	[sflag:s14] =	ssyncset.done $0x0  }
0x7b: {  	[sflag:s14] =	ssyncadd.s32 $0xFFFFCE00  }
0x7c: {  	_ =	swait.ge [sflag:s16], $0x3200  }
0x7d: {  	[sflag:s16] =	ssyncset.done $0x0  }
0x7e: {  	[sflag:s16] =	ssyncadd.s32 $0xFFFFCE00  }
0x7f: {  	_ =	swait.ge [sflag:s18], $0x3200  }
0x80: {  	[sflag:s18] =	ssyncset.done $0x0  }
0x81: {  	[sflag:s18] =	ssyncadd.s32 $0xFFFFCE00  }
0x82: {  	_ =	swait.ge [sflag:s20], $0x3200  }
0x83: {  	[sflag:s20] =	ssyncset.done $0x0  }
0x84: {  	[sflag:s20] =	ssyncadd.s32 $0xFFFFCE00  }
0x85: {  	_ =	swait.ge [sflag:s22], $0x3200  }
0x86: {  	s4 =	sadd.s32 $0x1, s4;
	s12 =	rddreg [dreg:$0x5]  }
0x87: {  	p0 =	sne.s32 s4, s12  }
.Ltmp1:
0x88: {  	_ = 	snop;
	(pc) =	sbr.rel @p0 .LBB2_1-.Ltmp1, $3  }
0x89: {  	_ =	sdelay $0x1  }
0x8a: {  	[sflag:s22] =	ssyncset.done $0x0  }
0x8b: {  	[sflag:s22] =	ssyncadd.s32 $0xFFFFCE00  }
0x8c: {  	_ =	sfence.sel $0x180000  }
0x8d: {  	[bflag:$0x0] =	sbarrier.arrive $0xFFFF  }
0x8e: {  	_ =	strace $0x90000047  }
0x8f: {  	s0 =	stileid.u32;
	[bflag:$0x2] =	sbarrier.arrive $0xFFFF  }
0x90: {  	p0 =	sne.s32 s0, $0x0;
	s0 =	rddreg [dreg:$0x3]  }
0x91: {  	s0 =	sadd.s32 @!p0 $0x100000, s0  }
0x92: {  	[sflag:s0] =	ssyncadd.tile.s32 @!p0 $0x1;
	_ =	shalt  }
.Lfunc_end2:
_tile_overlayer_lowered:
.L_overlay_start_2:
0x93: {  	(tag) =	ssettag $0x2  }
0x94: {  	s0 =	rddreg [dreg:$0x0];
	s2 =	stileid.u32  }
0x95: {  	s1 =	rddreg [dreg:$0x1];
	p0 =	sne.s32 s2, $0x0  }
0x96: {  	s3 =	rddreg [dreg:$0x2];
	[bflag:$0x3] =	sbarrier.arrive $0xFFFF;
	s2 =	simm.s32 @!p0 $0x1C11  }
0x97: {  	[timem:s3], [sflag:s2] =	dma.local @!p0 [hbm:s0], s1  }
0x98: {  	s0 =	simm.s32 @!p0 $0x11  }
0x99: {  	_ =	swait.ge @!p0 [sflag:s0], s1  }
0x9a: {  	s1 =	ssub.s32 @!p0 $0x0, s1;
	[sflag:s0] =	ssyncset.done @!p0 $0x0  }
0x9b: {  	[sflag:s0] =	ssyncadd.s32 @!p0 s1  }
0x9c: {  	[bflag:$0x3] =	sbarrier.arrive $0xFFFF  }
0x9d: {  	_ =	shalt  }

</sc_bundles>
